<compile_context>
chip_gen: v7x
topology: tpu7x:2x2x1
jax: 0.10.2.dev20260603
libtpu: 0.0.44.dev20260713+nightly
codegen_flags: <defaults>
</compile_context>

<pallas_src>
import functools

import jax
import jax.numpy as jnp
from jax import lax
from jax.experimental import pallas as pl
from jax.experimental.pallas import tpu as pltpu
from jax.experimental.pallas import tpu_sc as plsc

N_REFLNS = 640000
N_IMAGES = 10000
N_ASU = 100000
D_META = 16
HID = 32

ZPAD = 100096
NIPAD = 10240
NW = 32
RPW = N_REFLNS // NW
CHUNK = 800
NCHUNK = RPW // CHUNK
NVEC = CHUNK // 16
_UNROLL = 5


_HALF_LOG_2PI = 0.9189385332046727
_ZROWS = ZPAD // 128


_BLKA = 12800
_GRIDA = N_REFLNS // _BLKA


def _mlp_body(meta_ref, res_ref, wav_ref, sig_ref, w1a_ref, w1r_ref, w1w_ref,
              b1_ref, w2_ref, b2_ref, qloc_ref, qsr_ref, eps_ref,
              scale_ref, invsig_ref, cterm_ref, z_ref, kl_ref):
    @pl.when(pl.program_id(0) == 0)
    def _z_and_kl():
        qloc = qloc_ref[...]
        qs_raw = qsr_ref[...]
        qs = jnp.maximum(qs_raw, 0.0) + jnp.log1p(jnp.exp(-jnp.abs(qs_raw)))
        z_ref[...] = qloc + qs * eps_ref[...]
        kl = -jnp.log(qs) + 0.5 * (qs * qs + qloc * qloc) - 0.5
        r = lax.broadcasted_iota(jnp.int32, (_ZROWS, 128), 0)
        c = lax.broadcasted_iota(jnp.int32, (_ZROWS, 128), 1)
        mask = (r * 128 + c) < N_ASU
        kl_ref[...] = (jnp.sum(jnp.where(mask, kl, 0.0)) * (1.0 / N_ASU)).reshape(1, 1)

    h = jnp.dot(w1a_ref[...], meta_ref[...], preferred_element_type=jnp.float32)
    h = h + w1r_ref[...] * res_ref[...] + w1w_ref[...] * wav_ref[...] + b1_ref[...]
    h = jnp.maximum(h, 0.0)
    spre = jnp.dot(w2_ref[...], h, preferred_element_type=jnp.float32) + b2_ref[...]
    scale_ref[...] = jnp.maximum(spre, 0.0) + jnp.log1p(jnp.exp(-jnp.abs(spre)))
    sig = sig_ref[...]
    invsig_ref[...] = 1.0 / sig
    cterm_ref[...] = -jnp.log(sig) - _HALF_LOG_2PI


def _mlp_call(metadata, resolution, wavelength, sigiobs, W1, b1, W2, b2,
              q_loc, q_scale_raw, eps0):
    pad = ZPAD - N_ASU
    qloc2 = jnp.pad(q_loc, (0, pad)).reshape(_ZROWS, 128)
    qsr2 = jnp.pad(q_scale_raw, (0, pad)).reshape(_ZROWS, 128)
    eps2 = jnp.pad(eps0, (0, pad)).reshape(_ZROWS, 128)
    meta_t = metadata.T
    res_t = resolution.reshape(1, N_REFLNS)
    wav_t = wavelength.reshape(1, N_REFLNS)
    sig_t = sigiobs.reshape(1, N_REFLNS)
    w1a_t = W1[:D_META].T
    w1r_t = W1[D_META:D_META + 1].T
    w1w_t = W1[D_META + 1:D_META + 2].T
    b1_t = b1.reshape(HID, 1)
    w2_t = W2.reshape(1, HID)
    b2_t = b2.reshape(1, 1)
    row = lambda i: (0, i)
    fix = lambda i: (0, 0)
    return pl.pallas_call(
        _mlp_body,
        grid=(_GRIDA,),
        in_specs=[
            pl.BlockSpec((D_META, _BLKA), row),
            pl.BlockSpec((1, _BLKA), row),
            pl.BlockSpec((1, _BLKA), row),
            pl.BlockSpec((1, _BLKA), row),
            pl.BlockSpec((HID, D_META), fix),
            pl.BlockSpec((HID, 1), fix),
            pl.BlockSpec((HID, 1), fix),
            pl.BlockSpec((HID, 1), fix),
            pl.BlockSpec((1, HID), fix),
            pl.BlockSpec((1, 1), fix),
            pl.BlockSpec((_ZROWS, 128), fix),
            pl.BlockSpec((_ZROWS, 128), fix),
            pl.BlockSpec((_ZROWS, 128), fix),
        ],
        out_specs=[
            pl.BlockSpec((1, _BLKA), row),
            pl.BlockSpec((1, _BLKA), row),
            pl.BlockSpec((1, _BLKA), row),
            pl.BlockSpec((_ZROWS, 128), fix),
            pl.BlockSpec((1, 1), fix),
        ],
        out_shape=[
            jax.ShapeDtypeStruct((1, N_REFLNS), jnp.float32),
            jax.ShapeDtypeStruct((1, N_REFLNS), jnp.float32),
            jax.ShapeDtypeStruct((1, N_REFLNS), jnp.float32),
            jax.ShapeDtypeStruct((_ZROWS, 128), jnp.float32),
            jax.ShapeDtypeStruct((1, 1), jnp.float32),
        ],
    )(meta_t, res_t, wav_t, sig_t, w1a_t, w1r_t, w1w_t, b1_t, w2_t, b2_t,
      qloc2, qsr2, eps2)




def _sc_body(z_hbm, asu_hbm, img_hbm, scale_hbm, iobs_hbm, invsig_hbm, c_hbm,
             ipred_hbm, hists_hbm,
             z_v, asu_v, img_v, s0_v, s1_v, s2_v, s3_v,
             sh_v, ch_v, sem_in, sem_out):
    wid = lax.axis_index("s") * 2 + lax.axis_index("c")
    base0 = wid * RPW

    def in_pairs(g, k):
        base = base0 + g * CHUNK
        sl = pl.ds(base, CHUNK)
        bsl = pl.ds(k * CHUNK, CHUNK)
        return ((asu_hbm.at[sl], asu_v.at[bsl]),
                (img_hbm.at[sl], img_v.at[bsl]),
                (scale_hbm.at[sl], s0_v.at[bsl]),
                (iobs_hbm.at[sl], s1_v.at[bsl]),
                (invsig_hbm.at[sl], s2_v.at[bsl]),
                (c_hbm.at[sl], s3_v.at[bsl]))

    def start_inputs(g, k):
        for src, dst in in_pairs(g, k):
            pltpu.async_copy(src, dst, sem_in)

    def wait_inputs(g, k):
        for src, dst in in_pairs(g, k):
            pltpu.make_async_copy(src, dst, sem_in).wait()

    pltpu.async_copy(z_hbm, z_v, sem_out)
    start_inputs(0, 0)

    zero16 = jnp.zeros((16,), jnp.float32)

    def zinit(j, carry):
        sh_v[pl.ds(j * 16, 16)] = zero16
        ch_v[pl.ds(j * 16, 16)] = zero16
        return carry

    lax.fori_loop(0, NIPAD // 16, zinit, 0)
    pltpu.make_async_copy(z_hbm, z_v, sem_out).wait()

    def out_copy(g, k):
        base = base0 + g * CHUNK
        return pltpu.make_async_copy(s0_v.at[pl.ds(k * CHUNK, CHUNK)],
                                     ipred_hbm.at[pl.ds(base, CHUNK)], sem_out)

    def chunk_body(g, carry):
        k = lax.rem(g, 2)
        kn = lax.rem(g + 1, 2)

        @pl.when(g + 1 < NCHUNK)
        def _prefetch():
            @pl.when(g >= 1)
            def _drain_prev_out():
                out_copy(g - 1, kn).wait()
            start_inputs(g + 1, kn)

        wait_inputs(g, k)

        iota16 = lax.iota(jnp.int32, 16)
        iota_p1 = jnp.minimum(iota16 + 1, 15)
        iota_m1 = jnp.maximum(iota16 - 1, 0)
        is15 = iota16 == 15
        is0 = iota16 == 0
        iota_f = iota16.astype(jnp.float32)

        def vec(j, c2):
            for u in range(_UNROLL):
                o = k * CHUNK + (j * _UNROLL + u) * 16
                idx = asu_v[pl.ds(o, 16)]
                f = plsc.load_gather(z_v, [idx])
                ip = f * f * s0_v[pl.ds(o, 16)]
                d = (ip - s1_v[pl.ds(o, 16)]) * s2_v[pl.ds(o, 16)]
                ll = s3_v[pl.ds(o, 16)] - 0.5 * d * d
                s0_v[pl.ds(o, 16)] = ip
                img = img_v[pl.ds(o, 16)]
                nxt = img.at[iota_p1].get(mode="promise_in_bounds")
                prv = img.at[iota_m1].get(mode="promise_in_bounds")
                endm = (img != nxt) | is15
                sb = (img != prv) | is0
                sidx = plsc.cummax(jnp.where(sb, iota16, 0))
                cs = plsc.cumsum(ll)
                prevcs = jnp.where(
                    sidx == 0, 0.0,
                    cs.at[jnp.maximum(sidx - 1, 0)].get(mode="promise_in_bounds"))
                seg = cs - prevcs
                cnt = iota_f - sidx.astype(jnp.float32) + 1.0
                plsc.addupdate_scatter(sh_v, [img], seg, mask=endm)
                plsc.addupdate_scatter(ch_v, [img], cnt, mask=endm)
            return c2

        lax.fori_loop(0, NVEC // _UNROLL, vec, 0)
        out_copy(g, k).start()
        return carry

    lax.fori_loop(0, NCHUNK, chunk_body, 0)
    out_copy(NCHUNK - 2, lax.rem(NCHUNK - 2, 2)).wait()
    out_copy(NCHUNK - 1, lax.rem(NCHUNK - 1, 2)).wait()
    pltpu.sync_copy(sh_v, hists_hbm.at[wid, 0])
    pltpu.sync_copy(ch_v, hists_hbm.at[wid, 1])


@functools.cache
def _sc_kernel():
    return pl.kernel(
        _sc_body,
        out_type=[
            jax.ShapeDtypeStruct((N_REFLNS,), jnp.float32),
            jax.ShapeDtypeStruct((NW, 2, NIPAD), jnp.float32),
        ],
        mesh=plsc.VectorSubcoreMesh(core_axis_name="c", subcore_axis_name="s"),
        scratch_types=[
            pltpu.VMEM((ZPAD,), jnp.float32),
            pltpu.VMEM((2 * CHUNK,), jnp.int32),
            pltpu.VMEM((2 * CHUNK,), jnp.int32),
            pltpu.VMEM((2 * CHUNK,), jnp.float32),
            pltpu.VMEM((2 * CHUNK,), jnp.float32),
            pltpu.VMEM((2 * CHUNK,), jnp.float32),
            pltpu.VMEM((2 * CHUNK,), jnp.float32),
            pltpu.VMEM((NIPAD,), jnp.float32),
            pltpu.VMEM((NIPAD,), jnp.float32),
            pltpu.SemaphoreType.DMA,
            pltpu.SemaphoreType.DMA,
        ],
        compiler_params=pltpu.CompilerParams(needs_layout_passes=False),
    )




def _nll_body(hists_ref, nll_ref):
    h = hists_ref[...]
    s = jnp.sum(h[:, 0, :], axis=0, keepdims=True)
    cnt = jnp.sum(h[:, 1, :], axis=0, keepdims=True)
    idx = lax.broadcasted_iota(jnp.int32, (1, NIPAD), 1)
    r = jnp.where(idx < N_IMAGES, s / jnp.maximum(cnt, 1.0), 0.0)
    nll_ref[...] = (-jnp.sum(r) * (1.0 / N_IMAGES)).reshape(1, 1)


def _nll_call(hists):
    return pl.pallas_call(
        _nll_body,
        out_shape=jax.ShapeDtypeStruct((1, 1), jnp.float32),
    )(hists)




def kernel(image_id, asu_id, hkl_in, resolution, wavelength, metadata, iobs,
           sigiobs, q_loc, q_scale_raw, eps, W1, b1, W2, b2):
    scale, invsig, cterm, z2, klsum = _mlp_call(
        metadata, resolution, wavelength, sigiobs, W1, b1, W2, b2,
        q_loc, q_scale_raw, eps[0])
    ipred, hists = _sc_kernel()(
        z2.reshape(ZPAD),
        asu_id,
        image_id,
        scale.reshape(N_REFLNS),
        iobs.reshape(N_REFLNS),
        invsig.reshape(N_REFLNS),
        cterm.reshape(N_REFLNS),
    )
    nll = _nll_call(hists)
    return ipred, nll.reshape(()), klsum.reshape(())

# --- scband reference (transcript-rebuilt; emitter-appended) ---
"""Pipeline reference for scband-variational-merging-model-40261023433129 (READ-ONLY COPY).

The authoritative reference and input builder live on the scoring server;
editing this copy changes nothing except your own understanding.
"""

import jax, jax.numpy as jnp
import numpy as np

N_REFLNS = 640000
N_IMAGES = 10000
N_ASU = 100000
D_META = 16
MC = 1
H = 32


def setup_inputs(seed: int = 0) -> dict:
    key = jax.random.key(seed)
    ks = jax.random.split(key, 15)
    image_id = jnp.sort(jax.random.randint(ks[0], (N_REFLNS,), 0, N_IMAGES, dtype=jnp.int32))
    asu_id = jax.random.randint(ks[1], (N_REFLNS,), 0, N_ASU, dtype=jnp.int32)
    hkl_in = jax.random.randint(ks[2], (N_REFLNS, 3), 0, 64, dtype=jnp.int32)
    resolution = jax.random.uniform(ks[3], (N_REFLNS, 1), dtype=jnp.float32)
    wavelength = jax.random.uniform(ks[4], (N_REFLNS, 1), dtype=jnp.float32)
    metadata = jax.random.normal(ks[5], (N_REFLNS, D_META), dtype=jnp.float32)
    iobs = jax.random.normal(ks[6], (N_REFLNS, 1), dtype=jnp.float32)
    sigiobs = jax.random.uniform(ks[7], (N_REFLNS, 1), dtype=jnp.float32) + 0.1
    # learned parameters: surrogate posterior (loc/scale per unique reflection),
    # MC-sample noise, and scale-model MLP weights
    q_loc = jax.random.normal(ks[8], (N_ASU,), dtype=jnp.float32)
    q_scale_raw = jax.random.normal(ks[9], (N_ASU,), dtype=jnp.float32) * 0.1
    eps = jax.random.normal(ks[10], (MC, N_ASU), dtype=jnp.float32)
    W1 = jax.random.normal(ks[11], (D_META + 2, H), dtype=jnp.float32) * 0.1
    b1 = jnp.zeros((H,), dtype=jnp.float32)
    W2 = jax.random.normal(ks[12], (H, MC), dtype=jnp.float32) * 0.1
    b2 = jnp.zeros((MC,), dtype=jnp.float32)
    return {
        'image_id': image_id, 'asu_id': asu_id, 'hkl_in': hkl_in,
        'resolution': resolution, 'wavelength': wavelength, 'metadata': metadata,
        'iobs': iobs, 'sigiobs': sigiobs,
        'q_loc': q_loc, 'q_scale_raw': q_scale_raw, 'eps': eps,
        'W1': W1, 'b1': b1, 'W2': W2, 'b2': b2,
    }


def _average_by_images(source_value, image_id):
    # scatter-add rows of source_value (n_reflns, mc) into per-image buckets,
    # then divide by reflections-per-image and mc_samples (faithful to
    # scatter_add_ + bincount in the torch module)
    summed = jax.ops.segment_sum(source_value, image_id, num_segments=N_IMAGES)
    counts = jnp.maximum(jnp.bincount(image_id, length=N_IMAGES), 1).astype(jnp.float32)
    mc = source_value.shape[1]
    return summed.sum(axis=1) / counts / mc


def reference(image_id, asu_id, hkl_in, resolution, wavelength, metadata,
              iobs, sigiobs, q_loc, q_scale_raw, eps, W1, b1, W2, b2):
    # --- scale model: MLP over (metadata, resolution, wavelength) -> positive scale per refln ---
    feat = jnp.concatenate([metadata, resolution, wavelength], axis=-1)
    h = jax.nn.relu(feat @ W1 + b1)
    scale = jax.nn.softplus(h @ W2 + b2)  # (n_reflns, mc_samples)
    # --- surrogate posterior rsample (reparameterized Normal) ---
    q_scale = jax.nn.softplus(q_scale_raw)
    z = q_loc[None, :] + q_scale[None, :] * eps  # (mc_samples, n_asu)
    # --- analytic KL( N(q_loc, q_scale) || N(0,1) ) per reflection ---
    kl_div = -jnp.log(q_scale) + 0.5 * (q_scale ** 2 + q_loc ** 2) - 0.5
    # --- single identity reindexing op 'x,y,z': gather structure factors ---
    F = z.T[asu_id]  # (n_reflns, mc_samples)  memory-bound gather
    ipred = jnp.square(F) * scale
    # --- Normal likelihood log-prob of iobs given ipred, sigiobs ---
    ll = (-0.5 * jnp.square((ipred - iobs) / sigiobs)
          - jnp.log(sigiobs) - 0.5 * jnp.log(2.0 * jnp.pi))  # (n_reflns, mc)
    ll_img = _average_by_images(ll, image_id)  # (n_images,)
    ipred_avg = jnp.mean(ipred, axis=-1)
    loss_nll = -jnp.mean(ll_img)
    loss_kl = jnp.mean(kl_div)
    return ipred_avg, loss_nll, loss_kl

if __name__ == "__main__":
    import jax
    _d = setup_inputs()
    print(jax.jit(kernel)(*tuple(_d.values())))

</pallas_src>

<mosaic_0001>
#map = affine_map<(d0, d1) -> (0)>
#map1 = affine_map<(d0, d1) -> (0, 0, 0)>
module attributes {stable_mosaic.version = 14 : i64} {
  func.func @_sc_body(%arg0: i32, %arg1: i32, %arg2: memref<100096xf32, #tpu.memory_space<hbm>>, %arg3: memref<640000xi32, #tpu.memory_space<hbm>>, %arg4: memref<640000xi32, #tpu.memory_space<hbm>>, %arg5: memref<640000xf32, #tpu.memory_space<hbm>>, %arg6: memref<640000xf32, #tpu.memory_space<hbm>>, %arg7: memref<640000xf32, #tpu.memory_space<hbm>>, %arg8: memref<640000xf32, #tpu.memory_space<hbm>>, %arg9: memref<640000xf32, #tpu.memory_space<hbm>>, %arg10: memref<32x2x10240xf32, #tpu.memory_space<hbm>>, %arg11: memref<100096xf32, #tpu.memory_space<vmem>>, %arg12: memref<1600xi32, #tpu.memory_space<vmem>>, %arg13: memref<1600xi32, #tpu.memory_space<vmem>>, %arg14: memref<1600xf32, #tpu.memory_space<vmem>>, %arg15: memref<1600xf32, #tpu.memory_space<vmem>>, %arg16: memref<1600xf32, #tpu.memory_space<vmem>>, %arg17: memref<1600xf32, #tpu.memory_space<vmem>>, %arg18: memref<10240xf32, #tpu.memory_space<vmem>>, %arg19: memref<10240xf32, #tpu.memory_space<vmem>>, %arg20: memref<!tpu.dma_semaphore, #tpu.memory_space<semaphore_mem>>, %arg21: memref<!tpu.dma_semaphore, #tpu.memory_space<semaphore_mem>>) attributes {dimension_semantics = [#tpu.dimension_semantics<core_parallel>, #tpu.dimension_semantics<subcore_parallel>], iteration_bounds = array<i64: 2, 16>, scalar_prefetch = 0 : i64, scratch_operands = 11 : i64, tpu.core_type = #tpu.core_type<sc_vector_subcore>, window_params = [{transform_indices = #map}, {transform_indices = #map}, {transform_indices = #map}, {transform_indices = #map}, {transform_indices = #map}, {transform_indices = #map}, {transform_indices = #map}, {transform_indices = #map}, {transform_indices = #map1}]} {
    %mul3A = arith.constant 2 : i32
    %mul3A_0 = arith.muli %arg1, %mul3A : i32
    %add3A = arith.addi %mul3A_0, %arg0 : i32
    %mul3A_1 = arith.constant 20000 : i32
    %mul3A_2 = arith.muli %add3A, %mul3A_1 : i32
    tpu.enqueue_dma source(%arg2 : memref<100096xf32, #tpu.memory_space<hbm>>) target(%arg11 : memref<100096xf32, #tpu.memory_space<vmem>>) target_semaphore(%arg21 : memref<!tpu.dma_semaphore, #tpu.memory_space<semaphore_mem>>)
    %add3A_3 = arith.constant 0 : i32
    %add3A_4 = arith.addi %mul3A_2, %add3A_3 : i32
    %dma_start3A = arith.constant 0 : i32
    %dma_start3A_5 = tpu.memref_slice %arg12[%dma_start3A] : memref<1600xi32, #tpu.memory_space<vmem>> -> memref<800xi32, #tpu.memory_space<vmem>>
    %dma_start3A_6 = tpu.memref_slice %arg3[%add3A_4] : memref<640000xi32, #tpu.memory_space<hbm>> -> memref<800xi32, #tpu.memory_space<hbm>>
    %dma_start3A_7 = arith.constant 0 : i32
    %dma_start3A_8 = tpu.memref_slice %arg12[%dma_start3A_7] : memref<1600xi32, #tpu.memory_space<vmem>> -> memref<800xi32, #tpu.memory_space<vmem>>
    %dma_start3A_9 = tpu.memref_slice %arg3[%add3A_4] : memref<640000xi32, #tpu.memory_space<hbm>> -> memref<800xi32, #tpu.memory_space<hbm>>
    tpu.enqueue_dma source(%dma_start3A_9 : memref<800xi32, #tpu.memory_space<hbm>>) target(%dma_start3A_8 : memref<800xi32, #tpu.memory_space<vmem>>) target_semaphore(%arg20 : memref<!tpu.dma_semaphore, #tpu.memory_space<semaphore_mem>>)
    %dma_start3A_10 = arith.constant 0 : i32
    %dma_start3A_11 = tpu.memref_slice %arg13[%dma_start3A_10] : memref<1600xi32, #tpu.memory_space<vmem>> -> memref<800xi32, #tpu.memory_space<vmem>>
    %dma_start3A_12 = tpu.memref_slice %arg4[%add3A_4] : memref<640000xi32, #tpu.memory_space<hbm>> -> memref<800xi32, #tpu.memory_space<hbm>>
    %dma_start3A_13 = arith.constant 0 : i32
    %dma_start3A_14 = tpu.memref_slice %arg13[%dma_start3A_13] : memref<1600xi32, #tpu.memory_space<vmem>> -> memref<800xi32, #tpu.memory_space<vmem>>
    %dma_start3A_15 = tpu.memref_slice %arg4[%add3A_4] : memref<640000xi32, #tpu.memory_space<hbm>> -> memref<800xi32, #tpu.memory_space<hbm>>
    tpu.enqueue_dma source(%dma_start3A_15 : memref<800xi32, #tpu.memory_space<hbm>>) target(%dma_start3A_14 : memref<800xi32, #tpu.memory_space<vmem>>) target_semaphore(%arg20 : memref<!tpu.dma_semaphore, #tpu.memory_space<semaphore_mem>>)
    %dma_start3A_16 = arith.constant 0 : i32
    %dma_start3A_17 = tpu.memref_slice %arg14[%dma_start3A_16] : memref<1600xf32, #tpu.memory_space<vmem>> -> memref<800xf32, #tpu.memory_space<vmem>>
    %dma_start3A_18 = tpu.memref_slice %arg5[%add3A_4] : memref<640000xf32, #tpu.memory_space<hbm>> -> memref<800xf32, #tpu.memory_space<hbm>>
    %dma_start3A_19 = arith.constant 0 : i32
    %dma_start3A_20 = tpu.memref_slice %arg14[%dma_start3A_19] : memref<1600xf32, #tpu.memory_space<vmem>> -> memref<800xf32, #tpu.memory_space<vmem>>
    %dma_start3A_21 = tpu.memref_slice %arg5[%add3A_4] : memref<640000xf32, #tpu.memory_space<hbm>> -> memref<800xf32, #tpu.memory_space<hbm>>
    tpu.enqueue_dma source(%dma_start3A_21 : memref<800xf32, #tpu.memory_space<hbm>>) target(%dma_start3A_20 : memref<800xf32, #tpu.memory_space<vmem>>) target_semaphore(%arg20 : memref<!tpu.dma_semaphore, #tpu.memory_space<semaphore_mem>>)
    %dma_start3A_22 = arith.constant 0 : i32
    %dma_start3A_23 = tpu.memref_slice %arg15[%dma_start3A_22] : memref<1600xf32, #tpu.memory_space<vmem>> -> memref<800xf32, #tpu.memory_space<vmem>>
    %dma_start3A_24 = tpu.memref_slice %arg6[%add3A_4] : memref<640000xf32, #tpu.memory_space<hbm>> -> memref<800xf32, #tpu.memory_space<hbm>>
    %dma_start3A_25 = arith.constant 0 : i32
    %dma_start3A_26 = tpu.memref_slice %arg15[%dma_start3A_25] : memref<1600xf32, #tpu.memory_space<vmem>> -> memref<800xf32, #tpu.memory_space<vmem>>
    %dma_start3A_27 = tpu.memref_slice %arg6[%add3A_4] : memref<640000xf32, #tpu.memory_space<hbm>> -> memref<800xf32, #tpu.memory_space<hbm>>
    tpu.enqueue_dma source(%dma_start3A_27 : memref<800xf32, #tpu.memory_space<hbm>>) target(%dma_start3A_26 : memref<800xf32, #tpu.memory_space<vmem>>) target_semaphore(%arg20 : memref<!tpu.dma_semaphore, #tpu.memory_space<semaphore_mem>>)
    %dma_start3A_28 = arith.constant 0 : i32
    %dma_start3A_29 = tpu.memref_slice %arg16[%dma_start3A_28] : memref<1600xf32, #tpu.memory_space<vmem>> -> memref<800xf32, #tpu.memory_space<vmem>>
    %dma_start3A_30 = tpu.memref_slice %arg7[%add3A_4] : memref<640000xf32, #tpu.memory_space<hbm>> -> memref<800xf32, #tpu.memory_space<hbm>>
    %dma_start3A_31 = arith.constant 0 : i32
    %dma_start3A_32 = tpu.memref_slice %arg16[%dma_start3A_31] : memref<1600xf32, #tpu.memory_space<vmem>> -> memref<800xf32, #tpu.memory_space<vmem>>
    %dma_start3A_33 = tpu.memref_slice %arg7[%add3A_4] : memref<640000xf32, #tpu.memory_space<hbm>> -> memref<800xf32, #tpu.memory_space<hbm>>
    tpu.enqueue_dma source(%dma_start3A_33 : memref<800xf32, #tpu.memory_space<hbm>>) target(%dma_start3A_32 : memref<800xf32, #tpu.memory_space<vmem>>) target_semaphore(%arg20 : memref<!tpu.dma_semaphore, #tpu.memory_space<semaphore_mem>>)
    %dma_start3A_34 = arith.constant 0 : i32
    %dma_start3A_35 = tpu.memref_slice %arg17[%dma_start3A_34] : memref<1600xf32, #tpu.memory_space<vmem>> -> memref<800xf32, #tpu.memory_space<vmem>>
    %dma_start3A_36 = tpu.memref_slice %arg8[%add3A_4] : memref<640000xf32, #tpu.memory_space<hbm>> -> memref<800xf32, #tpu.memory_space<hbm>>
    %dma_start3A_37 = arith.constant 0 : i32
    %dma_start3A_38 = tpu.memref_slice %arg17[%dma_start3A_37] : memref<1600xf32, #tpu.memory_space<vmem>> -> memref<800xf32, #tpu.memory_space<vmem>>
    %dma_start3A_39 = tpu.memref_slice %arg8[%add3A_4] : memref<640000xf32, #tpu.memory_space<hbm>> -> memref<800xf32, #tpu.memory_space<hbm>>
    tpu.enqueue_dma source(%dma_start3A_39 : memref<800xf32, #tpu.memory_space<hbm>>) target(%dma_start3A_38 : memref<800xf32, #tpu.memory_space<vmem>>) target_semaphore(%arg20 : memref<!tpu.dma_semaphore, #tpu.memory_space<semaphore_mem>>)
    %broadcast_in_dim3A = arith.constant 0.000000e+00 : f32
    %broadcast_in_dim3A_40 = vector.broadcast %broadcast_in_dim3A : f32 to vector<16xf32>
    %scan3A = arith.constant 0 : i32
    %scan3A_41 = arith.constant 0 : i32
    %scan3A_42 = arith.constant 640 : i32
    %scan3A_43 = arith.addi %scan3A_41, %scan3A_42 : i32
    %scan3A_44 = arith.constant 1 : i32
    scf.for %scan3A_73 = %scan3A_41 to %scan3A_43 step %scan3A_44  : i32 {
      %mul3A_74 = arith.constant 16 : i32
      %mul3A_75 = arith.muli %scan3A_73, %mul3A_74 : i32
      %swap3A = arith.index_cast %mul3A_75 : i32 to index
      %swap3A_76 = tpu.vector_load %arg18[%swap3A] {strides = array<i32>} : memref<10240xf32, #tpu.memory_space<vmem>>, vector<16xf32>,
      tpu.vector_store %arg18[%swap3A], %broadcast_in_dim3A_40 {strides = array<i32>} : memref<10240xf32, #tpu.memory_space<vmem>>, vector<16xf32>,
      %mul3A_77 = arith.constant 16 : i32
      %mul3A_78 = arith.muli %scan3A_73, %mul3A_77 : i32
      %swap3A_79 = arith.index_cast %mul3A_78 : i32 to index
      %swap3A_80 = tpu.vector_load %arg19[%swap3A_79] {strides = array<i32>} : memref<10240xf32, #tpu.memory_space<vmem>>, vector<16xf32>,
      tpu.vector_store %arg19[%swap3A_79], %broadcast_in_dim3A_40 {strides = array<i32>} : memref<10240xf32, #tpu.memory_space<vmem>>, vector<16xf32>,
    }
    %scan3A_45 = arith.constant 640 : i32
    tpu.wait_dma2 semaphore(%arg21 : memref<!tpu.dma_semaphore, #tpu.memory_space<semaphore_mem>>) src(%arg2 : memref<100096xf32, #tpu.memory_space<hbm>>) dst(%arg11 : memref<100096xf32, #tpu.memory_space<vmem>>)
    %scan3A_46 = arith.constant 0 : i32
    %scan3A_47 = arith.constant 0 : i32
    %scan3A_48 = arith.constant 25 : i32
    %scan3A_49 = arith.addi %scan3A_47, %scan3A_48 : i32
    %scan3A_50 = arith.constant 1 : i32
    scf.for %scan3A_73 = %scan3A_47 to %scan3A_49 step %scan3A_50  : i32 {
      %rem3A_74 = arith.constant 2 : i32
      %rem3A_75 = arith.remsi %scan3A_73, %rem3A_74 : i32
      %add3A_76 = arith.constant 1 : i32
      %add3A_77 = arith.addi %scan3A_73, %add3A_76 : i32
      %rem3A_78 = arith.constant 2 : i32
      %rem3A_79 = arith.remsi %add3A_77, %rem3A_78 : i32
      %add3A_80 = arith.constant 1 : i32
      %add3A_81 = arith.addi %scan3A_73, %add3A_80 : i32
      %lt3A = arith.constant 25 : i32
      %lt3A_82 = arith.cmpi slt, %add3A_81, %lt3A : i32
      %convert_element_type3A = arith.extui %lt3A_82 : i1 to i32
      %cond3A = arith.constant 0 : i32
      %cond3A_83 = arith.cmpi ne, %convert_element_type3A, %cond3A : i32
      scf.if %cond3A_83 {
        %ge3A = arith.constant 1 : i32
        %ge3A_143 = arith.cmpi sge, %scan3A_73, %ge3A : i32
        %convert_element_type3A_144 = arith.extui %ge3A_143 : i1 to i32
        %cond3A_145 = arith.constant 0 : i32
        %cond3A_146 = arith.cmpi ne, %convert_element_type3A_144, %cond3A_145 : i32
        scf.if %cond3A_146 {
          %sub3A_178 = arith.constant 1 : i32
          %sub3A_179 = arith.subi %scan3A_73, %sub3A_178 : i32
          %mul3A_180 = arith.constant 800 : i32
          %mul3A_181 = arith.muli %sub3A_179, %mul3A_180 : i32
          %add3A_182 = arith.addi %mul3A_2, %mul3A_181 : i32
          %mul3A_183 = arith.constant 800 : i32
          %mul3A_184 = arith.muli %rem3A_79, %mul3A_183 : i32
          %dma_wait3A_185 = tpu.memref_slice %arg14[%mul3A_184] : memref<1600xf32, #tpu.memory_space<vmem>> -> memref<800xf32, #tpu.memory_space<vmem>>
          %dma_wait3A_186 = tpu.memref_slice %arg9[%add3A_182] : memref<640000xf32, #tpu.memory_space<hbm>> -> memref<800xf32, #tpu.memory_space<hbm>>
          %dma_wait3A_187 = tpu.memref_slice %arg9[%add3A_182] : memref<640000xf32, #tpu.memory_space<hbm>> -> memref<800xf32, #tpu.memory_space<hbm>>
          %dma_wait3A_188 = tpu.memref_slice %arg14[%mul3A_184] : memref<1600xf32, #tpu.memory_space<vmem>> -> memref<800xf32, #tpu.memory_space<vmem>>
          tpu.wait_dma2 semaphore(%arg21 : memref<!tpu.dma_semaphore, #tpu.memory_space<semaphore_mem>>) src(%dma_wait3A_188 : memref<800xf32, #tpu.memory_space<vmem>>) dst(%dma_wait3A_187 : memref<800xf32, #tpu.memory_space<hbm>>)
        } else {
        }
        %add3A_147 = arith.constant 1 : i32
        %add3A_148 = arith.addi %scan3A_73, %add3A_147 : i32
        %mul3A_149 = arith.constant 800 : i32
        %mul3A_150 = arith.muli %add3A_148, %mul3A_149 : i32
        %add3A_151 = arith.addi %mul3A_2, %mul3A_150 : i32
        %mul3A_152 = arith.constant 800 : i32
        %mul3A_153 = arith.muli %rem3A_79, %mul3A_152 : i32
        %dma_start3A_154 = tpu.memref_slice %arg12[%mul3A_153] : memref<1600xi32, #tpu.memory_space<vmem>> -> memref<800xi32, #tpu.memory_space<vmem>>
        %dma_start3A_155 = tpu.memref_slice %arg3[%add3A_151] : memref<640000xi32, #tpu.memory_space<hbm>> -> memref<800xi32, #tpu.memory_space<hbm>>
        %dma_start3A_156 = tpu.memref_slice %arg12[%mul3A_153] : memref<1600xi32, #tpu.memory_space<vmem>> -> memref<800xi32, #tpu.memory_space<vmem>>
        %dma_start3A_157 = tpu.memref_slice %arg3[%add3A_151] : memref<640000xi32, #tpu.memory_space<hbm>> -> memref<800xi32, #tpu.memory_space<hbm>>
        tpu.enqueue_dma source(%dma_start3A_157 : memref<800xi32, #tpu.memory_space<hbm>>) target(%dma_start3A_156 : memref<800xi32, #tpu.memory_space<vmem>>) target_semaphore(%arg20 : memref<!tpu.dma_semaphore, #tpu.memory_space<semaphore_mem>>)
        %dma_start3A_158 = tpu.memref_slice %arg13[%mul3A_153] : memref<1600xi32, #tpu.memory_space<vmem>> -> memref<800xi32, #tpu.memory_space<vmem>>
        %dma_start3A_159 = tpu.memref_slice %arg4[%add3A_151] : memref<640000xi32, #tpu.memory_space<hbm>> -> memref<800xi32, #tpu.memory_space<hbm>>
        %dma_start3A_160 = tpu.memref_slice %arg13[%mul3A_153] : memref<1600xi32, #tpu.memory_space<vmem>> -> memref<800xi32, #tpu.memory_space<vmem>>
        %dma_start3A_161 = tpu.memref_slice %arg4[%add3A_151] : memref<640000xi32, #tpu.memory_space<hbm>> -> memref<800xi32, #tpu.memory_space<hbm>>
        tpu.enqueue_dma source(%dma_start3A_161 : memref<800xi32, #tpu.memory_space<hbm>>) target(%dma_start3A_160 : memref<800xi32, #tpu.memory_space<vmem>>) target_semaphore(%arg20 : memref<!tpu.dma_semaphore, #tpu.memory_space<semaphore_mem>>)
        %dma_start3A_162 = tpu.memref_slice %arg14[%mul3A_153] : memref<1600xf32, #tpu.memory_space<vmem>> -> memref<800xf32, #tpu.memory_space<vmem>>
        %dma_start3A_163 = tpu.memref_slice %arg5[%add3A_151] : memref<640000xf32, #tpu.memory_space<hbm>> -> memref<800xf32, #tpu.memory_space<hbm>>
        %dma_start3A_164 = tpu.memref_slice %arg14[%mul3A_153] : memref<1600xf32, #tpu.memory_space<vmem>> -> memref<800xf32, #tpu.memory_space<vmem>>
        %dma_start3A_165 = tpu.memref_slice %arg5[%add3A_151] : memref<640000xf32, #tpu.memory_space<hbm>> -> memref<800xf32, #tpu.memory_space<hbm>>
        tpu.enqueue_dma source(%dma_start3A_165 : memref<800xf32, #tpu.memory_space<hbm>>) target(%dma_start3A_164 : memref<800xf32, #tpu.memory_space<vmem>>) target_semaphore(%arg20 : memref<!tpu.dma_semaphore, #tpu.memory_space<semaphore_mem>>)
        %dma_start3A_166 = tpu.memref_slice %arg15[%mul3A_153] : memref<1600xf32, #tpu.memory_space<vmem>> -> memref<800xf32, #tpu.memory_space<vmem>>
        %dma_start3A_167 = tpu.memref_slice %arg6[%add3A_151] : memref<640000xf32, #tpu.memory_space<hbm>> -> memref<800xf32, #tpu.memory_space<hbm>>
        %dma_start3A_168 = tpu.memref_slice %arg15[%mul3A_153] : memref<1600xf32, #tpu.memory_space<vmem>> -> memref<800xf32, #tpu.memory_space<vmem>>
        %dma_start3A_169 = tpu.memref_slice %arg6[%add3A_151] : memref<640000xf32, #tpu.memory_space<hbm>> -> memref<800xf32, #tpu.memory_space<hbm>>
        tpu.enqueue_dma source(%dma_start3A_169 : memref<800xf32, #tpu.memory_space<hbm>>) target(%dma_start3A_168 : memref<800xf32, #tpu.memory_space<vmem>>) target_semaphore(%arg20 : memref<!tpu.dma_semaphore, #tpu.memory_space<semaphore_mem>>)
        %dma_start3A_170 = tpu.memref_slice %arg16[%mul3A_153] : memref<1600xf32, #tpu.memory_space<vmem>> -> memref<800xf32, #tpu.memory_space<vmem>>
        %dma_start3A_171 = tpu.memref_slice %arg7[%add3A_151] : memref<640000xf32, #tpu.memory_space<hbm>> -> memref<800xf32, #tpu.memory_space<hbm>>
        %dma_start3A_172 = tpu.memref_slice %arg16[%mul3A_153] : memref<1600xf32, #tpu.memory_space<vmem>> -> memref<800xf32, #tpu.memory_space<vmem>>
        %dma_start3A_173 = tpu.memref_slice %arg7[%add3A_151] : memref<640000xf32, #tpu.memory_space<hbm>> -> memref<800xf32, #tpu.memory_space<hbm>>
        tpu.enqueue_dma source(%dma_start3A_173 : memref<800xf32, #tpu.memory_space<hbm>>) target(%dma_start3A_172 : memref<800xf32, #tpu.memory_space<vmem>>) target_semaphore(%arg20 : memref<!tpu.dma_semaphore, #tpu.memory_space<semaphore_mem>>)
        %dma_start3A_174 = tpu.memref_slice %arg17[%mul3A_153] : memref<1600xf32, #tpu.memory_space<vmem>> -> memref<800xf32, #tpu.memory_space<vmem>>
        %dma_start3A_175 = tpu.memref_slice %arg8[%add3A_151] : memref<640000xf32, #tpu.memory_space<hbm>> -> memref<800xf32, #tpu.memory_space<hbm>>
        %dma_start3A_176 = tpu.memref_slice %arg17[%mul3A_153] : memref<1600xf32, #tpu.memory_space<vmem>> -> memref<800xf32, #tpu.memory_space<vmem>>
        %dma_start3A_177 = tpu.memref_slice %arg8[%add3A_151] : memref<640000xf32, #tpu.memory_space<hbm>> -> memref<800xf32, #tpu.memory_space<hbm>>
        tpu.enqueue_dma source(%dma_start3A_177 : memref<800xf32, #tpu.memory_space<hbm>>) target(%dma_start3A_176 : memref<800xf32, #tpu.memory_space<vmem>>) target_semaphore(%arg20 : memref<!tpu.dma_semaphore, #tpu.memory_space<semaphore_mem>>)
      } else {
      }
      %mul3A_84 = arith.constant 800 : i32
      %mul3A_85 = arith.muli %scan3A_73, %mul3A_84 : i32
      %add3A_86 = arith.addi %mul3A_2, %mul3A_85 : i32
      %mul3A_87 = arith.constant 800 : i32
      %mul3A_88 = arith.muli %rem3A_75, %mul3A_87 : i32
      %dma_wait3A_89 = tpu.memref_slice %arg12[%mul3A_88] : memref<1600xi32, #tpu.memory_space<vmem>> -> memref<800xi32, #tpu.memory_space<vmem>>
      %dma_wait3A_90 = tpu.memref_slice %arg3[%add3A_86] : memref<640000xi32, #tpu.memory_space<hbm>> -> memref<800xi32, #tpu.memory_space<hbm>>
      %dma_wait3A_91 = tpu.memref_slice %arg12[%mul3A_88] : memref<1600xi32, #tpu.memory_space<vmem>> -> memref<800xi32, #tpu.memory_space<vmem>>
      %dma_wait3A_92 = tpu.memref_slice %arg3[%add3A_86] : memref<640000xi32, #tpu.memory_space<hbm>> -> memref<800xi32, #tpu.memory_space<hbm>>
      tpu.wait_dma2 semaphore(%arg20 : memref<!tpu.dma_semaphore, #tpu.memory_space<semaphore_mem>>) src(%dma_wait3A_92 : memref<800xi32, #tpu.memory_space<hbm>>) dst(%dma_wait3A_91 : memref<800xi32, #tpu.memory_space<vmem>>)
      %dma_wait3A_93 = tpu.memref_slice %arg13[%mul3A_88] : memref<1600xi32, #tpu.memory_space<vmem>> -> memref<800xi32, #tpu.memory_space<vmem>>
      %dma_wait3A_94 = tpu.memref_slice %arg4[%add3A_86] : memref<640000xi32, #tpu.memory_space<hbm>> -> memref<800xi32, #tpu.memory_space<hbm>>
      %dma_wait3A_95 = tpu.memref_slice %arg13[%mul3A_88] : memref<1600xi32, #tpu.memory_space<vmem>> -> memref<800xi32, #tpu.memory_space<vmem>>
      %dma_wait3A_96 = tpu.memref_slice %arg4[%add3A_86] : memref<640000xi32, #tpu.memory_space<hbm>> -> memref<800xi32, #tpu.memory_space<hbm>>
      tpu.wait_dma2 semaphore(%arg20 : memref<!tpu.dma_semaphore, #tpu.memory_space<semaphore_mem>>) src(%dma_wait3A_96 : memref<800xi32, #tpu.memory_space<hbm>>) dst(%dma_wait3A_95 : memref<800xi32, #tpu.memory_space<vmem>>)
      %dma_wait3A_97 = tpu.memref_slice %arg14[%mul3A_88] : memref<1600xf32, #tpu.memory_space<vmem>> -> memref<800xf32, #tpu.memory_space<vmem>>
      %dma_wait3A_98 = tpu.memref_slice %arg5[%add3A_86] : memref<640000xf32, #tpu.memory_space<hbm>> -> memref<800xf32, #tpu.memory_space<hbm>>
      %dma_wait3A_99 = tpu.memref_slice %arg14[%mul3A_88] : memref<1600xf32, #tpu.memory_space<vmem>> -> memref<800xf32, #tpu.memory_space<vmem>>
      %dma_wait3A_100 = tpu.memref_slice %arg5[%add3A_86] : memref<640000xf32, #tpu.memory_space<hbm>> -> memref<800xf32, #tpu.memory_space<hbm>>
      tpu.wait_dma2 semaphore(%arg20 : memref<!tpu.dma_semaphore, #tpu.memory_space<semaphore_mem>>) src(%dma_wait3A_100 : memref<800xf32, #tpu.memory_space<hbm>>) dst(%dma_wait3A_99 : memref<800xf32, #tpu.memory_space<vmem>>)
      %dma_wait3A_101 = tpu.memref_slice %arg15[%mul3A_88] : memref<1600xf32, #tpu.memory_space<vmem>> -> memref<800xf32, #tpu.memory_space<vmem>>
      %dma_wait3A_102 = tpu.memref_slice %arg6[%add3A_86] : memref<640000xf32, #tpu.memory_space<hbm>> -> memref<800xf32, #tpu.memory_space<hbm>>
      %dma_wait3A_103 = tpu.memref_slice %arg15[%mul3A_88] : memref<1600xf32, #tpu.memory_space<vmem>> -> memref<800xf32, #tpu.memory_space<vmem>>
      %dma_wait3A_104 = tpu.memref_slice %arg6[%add3A_86] : memref<640000xf32, #tpu.memory_space<hbm>> -> memref<800xf32, #tpu.memory_space<hbm>>
      tpu.wait_dma2 semaphore(%arg20 : memref<!tpu.dma_semaphore, #tpu.memory_space<semaphore_mem>>) src(%dma_wait3A_104 : memref<800xf32, #tpu.memory_space<hbm>>) dst(%dma_wait3A_103 : memref<800xf32, #tpu.memory_space<vmem>>)
      %dma_wait3A_105 = tpu.memref_slice %arg16[%mul3A_88] : memref<1600xf32, #tpu.memory_space<vmem>> -> memref<800xf32, #tpu.memory_space<vmem>>
      %dma_wait3A_106 = tpu.memref_slice %arg7[%add3A_86] : memref<640000xf32, #tpu.memory_space<hbm>> -> memref<800xf32, #tpu.memory_space<hbm>>
      %dma_wait3A_107 = tpu.memref_slice %arg16[%mul3A_88] : memref<1600xf32, #tpu.memory_space<vmem>> -> memref<800xf32, #tpu.memory_space<vmem>>
      %dma_wait3A_108 = tpu.memref_slice %arg7[%add3A_86] : memref<640000xf32, #tpu.memory_space<hbm>> -> memref<800xf32, #tpu.memory_space<hbm>>
      tpu.wait_dma2 semaphore(%arg20 : memref<!tpu.dma_semaphore, #tpu.memory_space<semaphore_mem>>) src(%dma_wait3A_108 : memref<800xf32, #tpu.memory_space<hbm>>) dst(%dma_wait3A_107 : memref<800xf32, #tpu.memory_space<vmem>>)
      %dma_wait3A_109 = tpu.memref_slice %arg17[%mul3A_88] : memref<1600xf32, #tpu.memory_space<vmem>> -> memref<800xf32, #tpu.memory_space<vmem>>
      %dma_wait3A_110 = tpu.memref_slice %arg8[%add3A_86] : memref<640000xf32, #tpu.memory_space<hbm>> -> memref<800xf32, #tpu.memory_space<hbm>>
      %dma_wait3A_111 = tpu.memref_slice %arg17[%mul3A_88] : memref<1600xf32, #tpu.memory_space<vmem>> -> memref<800xf32, #tpu.memory_space<vmem>>
      %dma_wait3A_112 = tpu.memref_slice %arg8[%add3A_86] : memref<640000xf32, #tpu.memory_space<hbm>> -> memref<800xf32, #tpu.memory_space<hbm>>
      tpu.wait_dma2 semaphore(%arg20 : memref<!tpu.dma_semaphore, #tpu.memory_space<semaphore_mem>>) src(%dma_wait3A_112 : memref<800xf32, #tpu.memory_space<hbm>>) dst(%dma_wait3A_111 : memref<800xf32, #tpu.memory_space<vmem>>)
      %iota3A = tpu.iota {dimensions = array<i32: 0>} : vector<16xi32>
      %add3A_113 = arith.constant 1 : i32
      %add3A_114 = vector.broadcast %add3A_113 : i32 to vector<16xi32>
      %add3A_115 = arith.addi %iota3A, %add3A_114 : vector<16xi32>
      %min3A = arith.constant 15 : i32
      %min3A_116 = vector.broadcast %min3A : i32 to vector<16xi32>
      %min3A_117 = arith.minsi %add3A_115, %min3A_116 : vector<16xi32>
      %sub3A = arith.constant 1 : i32
      %sub3A_118 = vector.broadcast %sub3A : i32 to vector<16xi32>
      %sub3A_119 = arith.subi %iota3A, %sub3A_118 : vector<16xi32>
      %max3A = arith.constant 0 : i32
      %max3A_120 = vector.broadcast %max3A : i32 to vector<16xi32>
      %max3A_121 = arith.maxsi %sub3A_119, %max3A_120 : vector<16xi32>
      %eq3A = arith.constant 15 : i32
      %eq3A_122 = vector.broadcast %eq3A : i32 to vector<16xi32>
      %eq3A_123 = arith.cmpi eq, %iota3A, %eq3A_122 : vector<16xi32>
      %eq3A_124 = arith.constant 0 : i32
      %eq3A_125 = vector.broadcast %eq3A_124 : i32 to vector<16xi32>
      %eq3A_126 = arith.cmpi eq, %iota3A, %eq3A_125 : vector<16xi32>
      %convert_element_type3A_127 = arith.sitofp %iota3A : vector<16xi32> to vector<16xf32>
      %scan3A_128 = arith.constant 0 : i32
      %scan3A_129 = arith.constant 0 : i32
      %scan3A_130 = arith.constant 10 : i32
      %scan3A_131 = arith.addi %scan3A_129, %scan3A_130 : i32
      %scan3A_132 = arith.constant 1 : i32
      scf.for %scan3A_143 = %scan3A_129 to %scan3A_131 step %scan3A_132  : i32 {
        %mul3A_144 = arith.constant 800 : i32
        %mul3A_145 = arith.muli %rem3A_75, %mul3A_144 : i32
        %mul3A_146 = arith.constant 5 : i32
        %mul3A_147 = arith.muli %scan3A_143, %mul3A_146 : i32
        %add3A_148 = arith.constant 0 : i32
        %add3A_149 = arith.addi %mul3A_147, %add3A_148 : i32
        %mul3A_150 = arith.constant 16 : i32
        %mul3A_151 = arith.muli %add3A_149, %mul3A_150 : i32
        %add3A_152 = arith.addi %mul3A_145, %mul3A_151 : i32
        %get3A = arith.index_cast %add3A_152 : i32 to index
        %get3A_153 = tpu.vector_load %arg12[%get3A] {strides = array<i32>} : memref<1600xi32, #tpu.memory_space<vmem>>, vector<16xi32>,
        %gather3A = tpu.vector_load_idx %arg11[%get3A_153] : memref<100096xf32, #tpu.memory_space<vmem>>[vector<16xi32>], vector<16xf32>,
        %mul3A_154 = arith.mulf %gather3A, %gather3A : vector<16xf32>
        %get3A_155 = arith.index_cast %add3A_152 : i32 to index
        %get3A_156 = tpu.vector_load %arg14[%get3A_155] {strides = array<i32>} : memref<1600xf32, #tpu.memory_space<vmem>>, vector<16xf32>,
        %mul3A_157 = arith.mulf %mul3A_154, %get3A_156 : vector<16xf32>
        %get3A_158 = arith.index_cast %add3A_152 : i32 to index
        %get3A_159 = tpu.vector_load %arg15[%get3A_158] {strides = array<i32>} : memref<1600xf32, #tpu.memory_space<vmem>>, vector<16xf32>,
        %sub3A_160 = arith.subf %mul3A_157, %get3A_159 : vector<16xf32>
        %get3A_161 = arith.index_cast %add3A_152 : i32 to index
        %get3A_162 = tpu.vector_load %arg16[%get3A_161] {strides = array<i32>} : memref<1600xf32, #tpu.memory_space<vmem>>, vector<16xf32>,
        %mul3A_163 = arith.mulf %sub3A_160, %get3A_162 : vector<16xf32>
        %get3A_164 = arith.index_cast %add3A_152 : i32 to index
        %get3A_165 = tpu.vector_load %arg17[%get3A_164] {strides = array<i32>} : memref<1600xf32, #tpu.memory_space<vmem>>, vector<16xf32>,
        %mul3A_166 = arith.constant 5.000000e-01 : f32
        %mul3A_167 = vector.broadcast %mul3A_166 : f32 to vector<16xf32>
        %mul3A_168 = arith.mulf %mul3A_167, %mul3A_163 : vector<16xf32>
        %mul3A_169 = arith.mulf %mul3A_168, %mul3A_163 : vector<16xf32>
        %sub3A_170 = arith.subf %get3A_165, %mul3A_169 : vector<16xf32>
        %swap3A = arith.index_cast %add3A_152 : i32 to index
        %swap3A_171 = tpu.vector_load %arg14[%swap3A] {strides = array<i32>} : memref<1600xf32, #tpu.memory_space<vmem>>, vector<16xf32>,
        tpu.vector_store %arg14[%swap3A], %mul3A_157 {strides = array<i32>} : memref<1600xf32, #tpu.memory_space<vmem>>, vector<16xf32>,
        %get3A_172 = arith.index_cast %add3A_152 : i32 to index
        %get3A_173 = tpu.vector_load %arg13[%get3A_172] {strides = array<i32>} : memref<1600xi32, #tpu.memory_space<vmem>>, vector<16xi32>,
        %lt3A_174 = arith.constant 0 : i32
        %lt3A_175 = vector.broadcast %lt3A_174 : i32 to vector<16xi32>
        %lt3A_176 = arith.cmpi slt, %min3A_117, %lt3A_175 : vector<16xi32>
        %add3A_177 = arith.constant 16 : i32
        %add3A_178 = vector.broadcast %add3A_177 : i32 to vector<16xi32>
        %add3A_179 = arith.addi %min3A_117, %add3A_178 : vector<16xi32>
        %select_n3A = arith.select %lt3A_176, %add3A_179, %min3A_117 : vector<16xi1>, vector<16xi32>
        %broadcast_in_dim3A_180 = vector.shape_cast %select_n3A : vector<16xi32> to vector<16x1xi32>
        %gather3A_181 = vector.shape_cast %broadcast_in_dim3A_180 : vector<16x1xi32> to vector<16xi32>
        %gather3A_182 = tpu.dynamic_gather %get3A_173[%gather3A_181] in [0] : vector<16xi32>, vector<16xi32> -> vector<16xi32>
        %lt3A_183 = arith.constant 0 : i32
        %lt3A_184 = vector.broadcast %lt3A_183 : i32 to vector<16xi32>
        %lt3A_185 = arith.cmpi slt, %max3A_121, %lt3A_184 : vector<16xi32>
        %add3A_186 = arith.constant 16 : i32
        %add3A_187 = vector.broadcast %add3A_186 : i32 to vector<16xi32>
        %add3A_188 = arith.addi %max3A_121, %add3A_187 : vector<16xi32>
        %select_n3A_189 = arith.select %lt3A_185, %add3A_188, %max3A_121 : vector<16xi1>, vector<16xi32>
        %broadcast_in_dim3A_190 = vector.shape_cast %select_n3A_189 : vector<16xi32> to vector<16x1xi32>
        %gather3A_191 = vector.shape_cast %broadcast_in_dim3A_190 : vector<16x1xi32> to vector<16xi32>
        %gather3A_192 = tpu.dynamic_gather %get3A_173[%gather3A_191] in [0] : vector<16xi32>, vector<16xi32> -> vector<16xi32>
        %ne3A = arith.cmpi ne, %get3A_173, %gather3A_182 : vector<16xi32>
        %or3A = arith.ori %ne3A, %eq3A_123 : vector<16xi1>
        %ne3A_193 = arith.cmpi ne, %get3A_173, %gather3A_192 : vector<16xi32>
        %or3A_194 = arith.ori %ne3A_193, %eq3A_126 : vector<16xi1>
        %jit3A = arith.constant 0 : i32
        %broadcast_in_dim3A_195 = vector.broadcast %jit3A : i32 to vector<16xi32>
        %select_n3A_196 = arith.select %or3A_194, %iota3A, %broadcast_in_dim3A_195 : vector<16xi1>, vector<16xi32>
        %broadcast_in_dim3A_197 = arith.constant true
        %broadcast_in_dim3A_198 = vector.broadcast %broadcast_in_dim3A_197 : i1 to vector<16xi1>
        %masked_cummax3A = arith.constant -2147483648 : i32
        %masked_cummax3A_199 = vector.broadcast %masked_cummax3A : i32 to vector<16xi32>
        %masked_cummax3A_200 = arith.xori %select_n3A_196, %masked_cummax3A_199 : vector<16xi32>
        %masked_cummax3A_201 = tpu.scan <max>, %masked_cummax3A_200 masked %broadcast_in_dim3A_198 : vector<16xi32>, vector<16xi1> -> vector<16xi32>
        %masked_cummax3A_202 = arith.xori %masked_cummax3A_201, %masked_cummax3A_199 : vector<16xi32>
        %broadcast_in_dim3A_203 = arith.constant true
        %broadcast_in_dim3A_204 = vector.broadcast %broadcast_in_dim3A_203 : i1 to vector<16xi1>
        %masked_cumsum3A = tpu.scan <sum>, %sub3A_170 masked %broadcast_in_dim3A_204 : vector<16xf32>, vector<16xi1> -> vector<16xf32>
        %eq3A_205 = arith.constant 0 : i32
        %eq3A_206 = vector.broadcast %eq3A_205 : i32 to vector<16xi32>
        %eq3A_207 = arith.cmpi eq, %masked_cummax3A_202, %eq3A_206 : vector<16xi32>
        %sub3A_208 = arith.constant 1 : i32
        %sub3A_209 = vector.broadcast %sub3A_208 : i32 to vector<16xi32>
        %sub3A_210 = arith.subi %masked_cummax3A_202, %sub3A_209 : vector<16xi32>
        %max3A_211 = arith.constant 0 : i32
        %max3A_212 = vector.broadcast %max3A_211 : i32 to vector<16xi32>
        %max3A_213 = arith.maxsi %sub3A_210, %max3A_212 : vector<16xi32>
        %lt3A_214 = arith.constant 0 : i32
        %lt3A_215 = vector.broadcast %lt3A_214 : i32 to vector<16xi32>
        %lt3A_216 = arith.cmpi slt, %max3A_213, %lt3A_215 : vector<16xi32>
        %add3A_217 = arith.constant 16 : i32
        %add3A_218 = vector.broadcast %add3A_217 : i32 to vector<16xi32>
        %add3A_219 = arith.addi %max3A_213, %add3A_218 : vector<16xi32>
        %select_n3A_220 = arith.select %lt3A_216, %add3A_219, %max3A_213 : vector<16xi1>, vector<16xi32>
        %broadcast_in_dim3A_221 = vector.shape_cast %select_n3A_220 : vector<16xi32> to vector<16x1xi32>
        %gather3A_222 = vector.shape_cast %broadcast_in_dim3A_221 : vector<16x1xi32> to vector<16xi32>
        %gather3A_223 = tpu.dynamic_gather %masked_cumsum3A[%gather3A_222] in [0] : vector<16xf32>, vector<16xi32> -> vector<16xf32>
        %jit3A_224 = arith.constant 0.000000e+00 : f32
        %broadcast_in_dim3A_225 = vector.broadcast %jit3A_224 : f32 to vector<16xf32>
        %select_n3A_226 = arith.select %eq3A_207, %broadcast_in_dim3A_225, %gather3A_223 : vector<16xi1>, vector<16xf32>
        %sub3A_227 = arith.subf %masked_cumsum3A, %select_n3A_226 : vector<16xf32>
        %convert_element_type3A_228 = arith.sitofp %masked_cummax3A_202 : vector<16xi32> to vector<16xf32>
        %sub3A_229 = arith.subf %convert_element_type3A_127, %convert_element_type3A_228 : vector<16xf32>
        %add3A_230 = arith.constant 1.000000e+00 : f32
        %add3A_231 = vector.broadcast %add3A_230 : f32 to vector<16xf32>
        %add3A_232 = arith.addf %sub3A_229, %add3A_231 : vector<16xf32>
        tpu.vector_store_idx %arg18[%get3A_173], %sub3A_227 masked %or3A {add = true} : memref<10240xf32, #tpu.memory_space<vmem>>[vector<16xi32>], vector<16xf32>, vector<16xi1>
        tpu.vector_store_idx %arg19[%get3A_173], %add3A_232 masked %or3A {add = true} : memref<10240xf32, #tpu.memory_space<vmem>>[vector<16xi32>], vector<16xf32>, vector<16xi1>
        %mul3A_233 = arith.constant 800 : i32
        %mul3A_234 = arith.muli %rem3A_75, %mul3A_233 : i32
        %mul3A_235 = arith.constant 5 : i32
        %mul3A_236 = arith.muli %scan3A_143, %mul3A_235 : i32
        %add3A_237 = arith.constant 1 : i32
        %add3A_238 = arith.addi %mul3A_236, %add3A_237 : i32
        %mul3A_239 = arith.constant 16 : i32
        %mul3A_240 = arith.muli %add3A_238, %mul3A_239 : i32
        %add3A_241 = arith.addi %mul3A_234, %mul3A_240 : i32
        %get3A_242 = arith.index_cast %add3A_241 : i32 to index
        %get3A_243 = tpu.vector_load %arg12[%get3A_242] {strides = array<i32>} : memref<1600xi32, #tpu.memory_space<vmem>>, vector<16xi32>,
        %gather3A_244 = tpu.vector_load_idx %arg11[%get3A_243] : memref<100096xf32, #tpu.memory_space<vmem>>[vector<16xi32>], vector<16xf32>,
        %mul3A_245 = arith.mulf %gather3A_244, %gather3A_244 : vector<16xf32>
        %get3A_246 = arith.index_cast %add3A_241 : i32 to index
        %get3A_247 = tpu.vector_load %arg14[%get3A_246] {strides = array<i32>} : memref<1600xf32, #tpu.memory_space<vmem>>, vector<16xf32>,
        %mul3A_248 = arith.mulf %mul3A_245, %get3A_247 : vector<16xf32>
        %get3A_249 = arith.index_cast %add3A_241 : i32 to index
        %get3A_250 = tpu.vector_load %arg15[%get3A_249] {strides = array<i32>} : memref<1600xf32, #tpu.memory_space<vmem>>, vector<16xf32>,
        %sub3A_251 = arith.subf %mul3A_248, %get3A_250 : vector<16xf32>
        %get3A_252 = arith.index_cast %add3A_241 : i32 to index
        %get3A_253 = tpu.vector_load %arg16[%get3A_252] {strides = array<i32>} : memref<1600xf32, #tpu.memory_space<vmem>>, vector<16xf32>,
        %mul3A_254 = arith.mulf %sub3A_251, %get3A_253 : vector<16xf32>
        %get3A_255 = arith.index_cast %add3A_241 : i32 to index
        %get3A_256 = tpu.vector_load %arg17[%get3A_255] {strides = array<i32>} : memref<1600xf32, #tpu.memory_space<vmem>>, vector<16xf32>,
        %mul3A_257 = arith.constant 5.000000e-01 : f32
        %mul3A_258 = vector.broadcast %mul3A_257 : f32 to vector<16xf32>
        %mul3A_259 = arith.mulf %mul3A_258, %mul3A_254 : vector<16xf32>
        %mul3A_260 = arith.mulf %mul3A_259, %mul3A_254 : vector<16xf32>
        %sub3A_261 = arith.subf %get3A_256, %mul3A_260 : vector<16xf32>
        %swap3A_262 = arith.index_cast %add3A_241 : i32 to index
        %swap3A_263 = tpu.vector_load %arg14[%swap3A_262] {strides = array<i32>} : memref<1600xf32, #tpu.memory_space<vmem>>, vector<16xf32>,
        tpu.vector_store %arg14[%swap3A_262], %mul3A_248 {strides = array<i32>} : memref<1600xf32, #tpu.memory_space<vmem>>, vector<16xf32>,
        %get3A_264 = arith.index_cast %add3A_241 : i32 to index
        %get3A_265 = tpu.vector_load %arg13[%get3A_264] {strides = array<i32>} : memref<1600xi32, #tpu.memory_space<vmem>>, vector<16xi32>,
        %lt3A_266 = arith.constant 0 : i32
        %lt3A_267 = vector.broadcast %lt3A_266 : i32 to vector<16xi32>
        %lt3A_268 = arith.cmpi slt, %min3A_117, %lt3A_267 : vector<16xi32>
        %add3A_269 = arith.constant 16 : i32
        %add3A_270 = vector.broadcast %add3A_269 : i32 to vector<16xi32>
        %add3A_271 = arith.addi %min3A_117, %add3A_270 : vector<16xi32>
        %select_n3A_272 = arith.select %lt3A_268, %add3A_271, %min3A_117 : vector<16xi1>, vector<16xi32>
        %broadcast_in_dim3A_273 = vector.shape_cast %select_n3A_272 : vector<16xi32> to vector<16x1xi32>
        %gather3A_274 = vector.shape_cast %broadcast_in_dim3A_273 : vector<16x1xi32> to vector<16xi32>
        %gather3A_275 = tpu.dynamic_gather %get3A_265[%gather3A_274] in [0] : vector<16xi32>, vector<16xi32> -> vector<16xi32>
        %lt3A_276 = arith.constant 0 : i32
        %lt3A_277 = vector.broadcast %lt3A_276 : i32 to vector<16xi32>
        %lt3A_278 = arith.cmpi slt, %max3A_121, %lt3A_277 : vector<16xi32>
        %add3A_279 = arith.constant 16 : i32
        %add3A_280 = vector.broadcast %add3A_279 : i32 to vector<16xi32>
        %add3A_281 = arith.addi %max3A_121, %add3A_280 : vector<16xi32>
        %select_n3A_282 = arith.select %lt3A_278, %add3A_281, %max3A_121 : vector<16xi1>, vector<16xi32>
        %broadcast_in_dim3A_283 = vector.shape_cast %select_n3A_282 : vector<16xi32> to vector<16x1xi32>
        %gather3A_284 = vector.shape_cast %broadcast_in_dim3A_283 : vector<16x1xi32> to vector<16xi32>
        %gather3A_285 = tpu.dynamic_gather %get3A_265[%gather3A_284] in [0] : vector<16xi32>, vector<16xi32> -> vector<16xi32>
        %ne3A_286 = arith.cmpi ne, %get3A_265, %gather3A_275 : vector<16xi32>
        %or3A_287 = arith.ori %ne3A_286, %eq3A_123 : vector<16xi1>
        %ne3A_288 = arith.cmpi ne, %get3A_265, %gather3A_285 : vector<16xi32>
        %or3A_289 = arith.ori %ne3A_288, %eq3A_126 : vector<16xi1>
        %jit3A_290 = arith.constant 0 : i32
        %broadcast_in_dim3A_291 = vector.broadcast %jit3A_290 : i32 to vector<16xi32>
        %select_n3A_292 = arith.select %or3A_289, %iota3A, %broadcast_in_dim3A_291 : vector<16xi1>, vector<16xi32>
        %broadcast_in_dim3A_293 = arith.constant true
        %broadcast_in_dim3A_294 = vector.broadcast %broadcast_in_dim3A_293 : i1 to vector<16xi1>
        %masked_cummax3A_295 = arith.constant -2147483648 : i32
        %masked_cummax3A_296 = vector.broadcast %masked_cummax3A_295 : i32 to vector<16xi32>
        %masked_cummax3A_297 = arith.xori %select_n3A_292, %masked_cummax3A_296 : vector<16xi32>
        %masked_cummax3A_298 = tpu.scan <max>, %masked_cummax3A_297 masked %broadcast_in_dim3A_294 : vector<16xi32>, vector<16xi1> -> vector<16xi32>
        %masked_cummax3A_299 = arith.xori %masked_cummax3A_298, %masked_cummax3A_296 : vector<16xi32>
        %broadcast_in_dim3A_300 = arith.constant true
        %broadcast_in_dim3A_301 = vector.broadcast %broadcast_in_dim3A_300 : i1 to vector<16xi1>
        %masked_cumsum3A_302 = tpu.scan <sum>, %sub3A_261 masked %broadcast_in_dim3A_301 : vector<16xf32>, vector<16xi1> -> vector<16xf32>
        %eq3A_303 = arith.constant 0 : i32
        %eq3A_304 = vector.broadcast %eq3A_303 : i32 to vector<16xi32>
        %eq3A_305 = arith.cmpi eq, %masked_cummax3A_299, %eq3A_304 : vector<16xi32>
        %sub3A_306 = arith.constant 1 : i32
        %sub3A_307 = vector.broadcast %sub3A_306 : i32 to vector<16xi32>
        %sub3A_308 = arith.subi %masked_cummax3A_299, %sub3A_307 : vector<16xi32>
        %max3A_309 = arith.constant 0 : i32
        %max3A_310 = vector.broadcast %max3A_309 : i32 to vector<16xi32>
        %max3A_311 = arith.maxsi %sub3A_308, %max3A_310 : vector<16xi32>
        %lt3A_312 = arith.constant 0 : i32
        %lt3A_313 = vector.broadcast %lt3A_312 : i32 to vector<16xi32>
        %lt3A_314 = arith.cmpi slt, %max3A_311, %lt3A_313 : vector<16xi32>
        %add3A_315 = arith.constant 16 : i32
        %add3A_316 = vector.broadcast %add3A_315 : i32 to vector<16xi32>
        %add3A_317 = arith.addi %max3A_311, %add3A_316 : vector<16xi32>
        %select_n3A_318 = arith.select %lt3A_314, %add3A_317, %max3A_311 : vector<16xi1>, vector<16xi32>
        %broadcast_in_dim3A_319 = vector.shape_cast %select_n3A_318 : vector<16xi32> to vector<16x1xi32>
        %gather3A_320 = vector.shape_cast %broadcast_in_dim3A_319 : vector<16x1xi32> to vector<16xi32>
        %gather3A_321 = tpu.dynamic_gather %masked_cumsum3A_302[%gather3A_320] in [0] : vector<16xf32>, vector<16xi32> -> vector<16xf32>
        %jit3A_322 = arith.constant 0.000000e+00 : f32
        %broadcast_in_dim3A_323 = vector.broadcast %jit3A_322 : f32 to vector<16xf32>
        %select_n3A_324 = arith.select %eq3A_305, %broadcast_in_dim3A_323, %gather3A_321 : vector<16xi1>, vector<16xf32>
        %sub3A_325 = arith.subf %masked_cumsum3A_302, %select_n3A_324 : vector<16xf32>
        %convert_element_type3A_326 = arith.sitofp %masked_cummax3A_299 : vector<16xi32> to vector<16xf32>
        %sub3A_327 = arith.subf %convert_element_type3A_127, %convert_element_type3A_326 : vector<16xf32>
        %add3A_328 = arith.constant 1.000000e+00 : f32
        %add3A_329 = vector.broadcast %add3A_328 : f32 to vector<16xf32>
        %add3A_330 = arith.addf %sub3A_327, %add3A_329 : vector<16xf32>
        tpu.vector_store_idx %arg18[%get3A_265], %sub3A_325 masked %or3A_287 {add = true} : memref<10240xf32, #tpu.memory_space<vmem>>[vector<16xi32>], vector<16xf32>, vector<16xi1>
        tpu.vector_store_idx %arg19[%get3A_265], %add3A_330 masked %or3A_287 {add = true} : memref<10240xf32, #tpu.memory_space<vmem>>[vector<16xi32>], vector<16xf32>, vector<16xi1>
        %mul3A_331 = arith.constant 800 : i32
        %mul3A_332 = arith.muli %rem3A_75, %mul3A_331 : i32
        %mul3A_333 = arith.constant 5 : i32
        %mul3A_334 = arith.muli %scan3A_143, %mul3A_333 : i32
        %add3A_335 = arith.constant 2 : i32
        %add3A_336 = arith.addi %mul3A_334, %add3A_335 : i32
        %mul3A_337 = arith.constant 16 : i32
        %mul3A_338 = arith.muli %add3A_336, %mul3A_337 : i32
        %add3A_339 = arith.addi %mul3A_332, %mul3A_338 : i32
        %get3A_340 = arith.index_cast %add3A_339 : i32 to index
        %get3A_341 = tpu.vector_load %arg12[%get3A_340] {strides = array<i32>} : memref<1600xi32, #tpu.memory_space<vmem>>, vector<16xi32>,
        %gather3A_342 = tpu.vector_load_idx %arg11[%get3A_341] : memref<100096xf32, #tpu.memory_space<vmem>>[vector<16xi32>], vector<16xf32>,
        %mul3A_343 = arith.mulf %gather3A_342, %gather3A_342 : vector<16xf32>
        %get3A_344 = arith.index_cast %add3A_339 : i32 to index
        %get3A_345 = tpu.vector_load %arg14[%get3A_344] {strides = array<i32>} : memref<1600xf32, #tpu.memory_space<vmem>>, vector<16xf32>,
        %mul3A_346 = arith.mulf %mul3A_343, %get3A_345 : vector<16xf32>
        %get3A_347 = arith.index_cast %add3A_339 : i32 to index
        %get3A_348 = tpu.vector_load %arg15[%get3A_347] {strides = array<i32>} : memref<1600xf32, #tpu.memory_space<vmem>>, vector<16xf32>,
        %sub3A_349 = arith.subf %mul3A_346, %get3A_348 : vector<16xf32>
        %get3A_350 = arith.index_cast %add3A_339 : i32 to index
        %get3A_351 = tpu.vector_load %arg16[%get3A_350] {strides = array<i32>} : memref<1600xf32, #tpu.memory_space<vmem>>, vector<16xf32>,
        %mul3A_352 = arith.mulf %sub3A_349, %get3A_351 : vector<16xf32>
        %get3A_353 = arith.index_cast %add3A_339 : i32 to index
        %get3A_354 = tpu.vector_load %arg17[%get3A_353] {strides = array<i32>} : memref<1600xf32, #tpu.memory_space<vmem>>, vector<16xf32>,
        %mul3A_355 = arith.constant 5.000000e-01 : f32
        %mul3A_356 = vector.broadcast %mul3A_355 : f32 to vector<16xf32>
        %mul3A_357 = arith.mulf %mul3A_356, %mul3A_352 : vector<16xf32>
        %mul3A_358 = arith.mulf %mul3A_357, %mul3A_352 : vector<16xf32>
        %sub3A_359 = arith.subf %get3A_354, %mul3A_358 : vector<16xf32>
        %swap3A_360 = arith.index_cast %add3A_339 : i32 to index
        %swap3A_361 = tpu.vector_load %arg14[%swap3A_360] {strides = array<i32>} : memref<1600xf32, #tpu.memory_space<vmem>>, vector<16xf32>,
        tpu.vector_store %arg14[%swap3A_360], %mul3A_346 {strides = array<i32>} : memref<1600xf32, #tpu.memory_space<vmem>>, vector<16xf32>,
        %get3A_362 = arith.index_cast %add3A_339 : i32 to index
        %get3A_363 = tpu.vector_load %arg13[%get3A_362] {strides = array<i32>} : memref<1600xi32, #tpu.memory_space<vmem>>, vector<16xi32>,
        %lt3A_364 = arith.constant 0 : i32
        %lt3A_365 = vector.broadcast %lt3A_364 : i32 to vector<16xi32>
        %lt3A_366 = arith.cmpi slt, %min3A_117, %lt3A_365 : vector<16xi32>
        %add3A_367 = arith.constant 16 : i32
        %add3A_368 = vector.broadcast %add3A_367 : i32 to vector<16xi32>
        %add3A_369 = arith.addi %min3A_117, %add3A_368 : vector<16xi32>
        %select_n3A_370 = arith.select %lt3A_366, %add3A_369, %min3A_117 : vector<16xi1>, vector<16xi32>
        %broadcast_in_dim3A_371 = vector.shape_cast %select_n3A_370 : vector<16xi32> to vector<16x1xi32>
        %gather3A_372 = vector.shape_cast %broadcast_in_dim3A_371 : vector<16x1xi32> to vector<16xi32>
        %gather3A_373 = tpu.dynamic_gather %get3A_363[%gather3A_372] in [0] : vector<16xi32>, vector<16xi32> -> vector<16xi32>
        %lt3A_374 = arith.constant 0 : i32
        %lt3A_375 = vector.broadcast %lt3A_374 : i32 to vector<16xi32>
        %lt3A_376 = arith.cmpi slt, %max3A_121, %lt3A_375 : vector<16xi32>
        %add3A_377 = arith.constant 16 : i32
        %add3A_378 = vector.broadcast %add3A_377 : i32 to vector<16xi32>
        %add3A_379 = arith.addi %max3A_121, %add3A_378 : vector<16xi32>
        %select_n3A_380 = arith.select %lt3A_376, %add3A_379, %max3A_121 : vector<16xi1>, vector<16xi32>
        %broadcast_in_dim3A_381 = vector.shape_cast %select_n3A_380 : vector<16xi32> to vector<16x1xi32>
        %gather3A_382 = vector.shape_cast %broadcast_in_dim3A_381 : vector<16x1xi32> to vector<16xi32>
        %gather3A_383 = tpu.dynamic_gather %get3A_363[%gather3A_382] in [0] : vector<16xi32>, vector<16xi32> -> vector<16xi32>
        %ne3A_384 = arith.cmpi ne, %get3A_363, %gather3A_373 : vector<16xi32>
        %or3A_385 = arith.ori %ne3A_384, %eq3A_123 : vector<16xi1>
        %ne3A_386 = arith.cmpi ne, %get3A_363, %gather3A_383 : vector<16xi32>
        %or3A_387 = arith.ori %ne3A_386, %eq3A_126 : vector<16xi1>
        %jit3A_388 = arith.constant 0 : i32
        %broadcast_in_dim3A_389 = vector.broadcast %jit3A_388 : i32 to vector<16xi32>
        %select_n3A_390 = arith.select %or3A_387, %iota3A, %broadcast_in_dim3A_389 : vector<16xi1>, vector<16xi32>
        %broadcast_in_dim3A_391 = arith.constant true
        %broadcast_in_dim3A_392 = vector.broadcast %broadcast_in_dim3A_391 : i1 to vector<16xi1>
        %masked_cummax3A_393 = arith.constant -2147483648 : i32
        %masked_cummax3A_394 = vector.broadcast %masked_cummax3A_393 : i32 to vector<16xi32>
        %masked_cummax3A_395 = arith.xori %select_n3A_390, %masked_cummax3A_394 : vector<16xi32>
        %masked_cummax3A_396 = tpu.scan <max>, %masked_cummax3A_395 masked %broadcast_in_dim3A_392 : vector<16xi32>, vector<16xi1> -> vector<16xi32>
        %masked_cummax3A_397 = arith.xori %masked_cummax3A_396, %masked_cummax3A_394 : vector<16xi32>
        %broadcast_in_dim3A_398 = arith.constant true
        %broadcast_in_dim3A_399 = vector.broadcast %broadcast_in_dim3A_398 : i1 to vector<16xi1>
        %masked_cumsum3A_400 = tpu.scan <sum>, %sub3A_359 masked %broadcast_in_dim3A_399 : vector<16xf32>, vector<16xi1> -> vector<16xf32>
        %eq3A_401 = arith.constant 0 : i32
        %eq3A_402 = vector.broadcast %eq3A_401 : i32 to vector<16xi32>
        %eq3A_403 = arith.cmpi eq, %masked_cummax3A_397, %eq3A_402 : vector<16xi32>
        %sub3A_404 = arith.constant 1 : i32
        %sub3A_405 = vector.broadcast %sub3A_404 : i32 to vector<16xi32>
        %sub3A_406 = arith.subi %masked_cummax3A_397, %sub3A_405 : vector<16xi32>
        %max3A_407 = arith.constant 0 : i32
        %max3A_408 = vector.broadcast %max3A_407 : i32 to vector<16xi32>
        %max3A_409 = arith.maxsi %sub3A_406, %max3A_408 : vector<16xi32>
        %lt3A_410 = arith.constant 0 : i32
        %lt3A_411 = vector.broadcast %lt3A_410 : i32 to vector<16xi32>
        %lt3A_412 = arith.cmpi slt, %max3A_409, %lt3A_411 : vector<16xi32>
        %add3A_413 = arith.constant 16 : i32
        %add3A_414 = vector.broadcast %add3A_413 : i32 to vector<16xi32>
        %add3A_415 = arith.addi %max3A_409, %add3A_414 : vector<16xi32>
        %select_n3A_416 = arith.select %lt3A_412, %add3A_415, %max3A_409 : vector<16xi1>, vector<16xi32>
        %broadcast_in_dim3A_417 = vector.shape_cast %select_n3A_416 : vector<16xi32> to vector<16x1xi32>
        %gather3A_418 = vector.shape_cast %broadcast_in_dim3A_417 : vector<16x1xi32> to vector<16xi32>
        %gather3A_419 = tpu.dynamic_gather %masked_cumsum3A_400[%gather3A_418] in [0] : vector<16xf32>, vector<16xi32> -> vector<16xf32>
        %jit3A_420 = arith.constant 0.000000e+00 : f32
        %broadcast_in_dim3A_421 = vector.broadcast %jit3A_420 : f32 to vector<16xf32>
        %select_n3A_422 = arith.select %eq3A_403, %broadcast_in_dim3A_421, %gather3A_419 : vector<16xi1>, vector<16xf32>
        %sub3A_423 = arith.subf %masked_cumsum3A_400, %select_n3A_422 : vector<16xf32>
        %convert_element_type3A_424 = arith.sitofp %masked_cummax3A_397 : vector<16xi32> to vector<16xf32>
        %sub3A_425 = arith.subf %convert_element_type3A_127, %convert_element_type3A_424 : vector<16xf32>
        %add3A_426 = arith.constant 1.000000e+00 : f32
        %add3A_427 = vector.broadcast %add3A_426 : f32 to vector<16xf32>
        %add3A_428 = arith.addf %sub3A_425, %add3A_427 : vector<16xf32>
        tpu.vector_store_idx %arg18[%get3A_363], %sub3A_423 masked %or3A_385 {add = true} : memref<10240xf32, #tpu.memory_space<vmem>>[vector<16xi32>], vector<16xf32>, vector<16xi1>
        tpu.vector_store_idx %arg19[%get3A_363], %add3A_428 masked %or3A_385 {add = true} : memref<10240xf32, #tpu.memory_space<vmem>>[vector<16xi32>], vector<16xf32>, vector<16xi1>
        %mul3A_429 = arith.constant 800 : i32
        %mul3A_430 = arith.muli %rem3A_75, %mul3A_429 : i32
        %mul3A_431 = arith.constant 5 : i32
        %mul3A_432 = arith.muli %scan3A_143, %mul3A_431 : i32
        %add3A_433 = arith.constant 3 : i32
        %add3A_434 = arith.addi %mul3A_432, %add3A_433 : i32
        %mul3A_435 = arith.constant 16 : i32
        %mul3A_436 = arith.muli %add3A_434, %mul3A_435 : i32
        %add3A_437 = arith.addi %mul3A_430, %mul3A_436 : i32
        %get3A_438 = arith.index_cast %add3A_437 : i32 to index
        %get3A_439 = tpu.vector_load %arg12[%get3A_438] {strides = array<i32>} : memref<1600xi32, #tpu.memory_space<vmem>>, vector<16xi32>,
        %gather3A_440 = tpu.vector_load_idx %arg11[%get3A_439] : memref<100096xf32, #tpu.memory_space<vmem>>[vector<16xi32>], vector<16xf32>,
        %mul3A_441 = arith.mulf %gather3A_440, %gather3A_440 : vector<16xf32>
        %get3A_442 = arith.index_cast %add3A_437 : i32 to index
        %get3A_443 = tpu.vector_load %arg14[%get3A_442] {strides = array<i32>} : memref<1600xf32, #tpu.memory_space<vmem>>, vector<16xf32>,
        %mul3A_444 = arith.mulf %mul3A_441, %get3A_443 : vector<16xf32>
        %get3A_445 = arith.index_cast %add3A_437 : i32 to index
        %get3A_446 = tpu.vector_load %arg15[%get3A_445] {strides = array<i32>} : memref<1600xf32, #tpu.memory_space<vmem>>, vector<16xf32>,
        %sub3A_447 = arith.subf %mul3A_444, %get3A_446 : vector<16xf32>
        %get3A_448 = arith.index_cast %add3A_437 : i32 to index
        %get3A_449 = tpu.vector_load %arg16[%get3A_448] {strides = array<i32>} : memref<1600xf32, #tpu.memory_space<vmem>>, vector<16xf32>,
        %mul3A_450 = arith.mulf %sub3A_447, %get3A_449 : vector<16xf32>
        %get3A_451 = arith.index_cast %add3A_437 : i32 to index
        %get3A_452 = tpu.vector_load %arg17[%get3A_451] {strides = array<i32>} : memref<1600xf32, #tpu.memory_space<vmem>>, vector<16xf32>,
        %mul3A_453 = arith.constant 5.000000e-01 : f32
        %mul3A_454 = vector.broadcast %mul3A_453 : f32 to vector<16xf32>
        %mul3A_455 = arith.mulf %mul3A_454, %mul3A_450 : vector<16xf32>
        %mul3A_456 = arith.mulf %mul3A_455, %mul3A_450 : vector<16xf32>
        %sub3A_457 = arith.subf %get3A_452, %mul3A_456 : vector<16xf32>
        %swap3A_458 = arith.index_cast %add3A_437 : i32 to index
        %swap3A_459 = tpu.vector_load %arg14[%swap3A_458] {strides = array<i32>} : memref<1600xf32, #tpu.memory_space<vmem>>, vector<16xf32>,
        tpu.vector_store %arg14[%swap3A_458], %mul3A_444 {strides = array<i32>} : memref<1600xf32, #tpu.memory_space<vmem>>, vector<16xf32>,
        %get3A_460 = arith.index_cast %add3A_437 : i32 to index
        %get3A_461 = tpu.vector_load %arg13[%get3A_460] {strides = array<i32>} : memref<1600xi32, #tpu.memory_space<vmem>>, vector<16xi32>,
        %lt3A_462 = arith.constant 0 : i32
        %lt3A_463 = vector.broadcast %lt3A_462 : i32 to vector<16xi32>
        %lt3A_464 = arith.cmpi slt, %min3A_117, %lt3A_463 : vector<16xi32>
        %add3A_465 = arith.constant 16 : i32
        %add3A_466 = vector.broadcast %add3A_465 : i32 to vector<16xi32>
        %add3A_467 = arith.addi %min3A_117, %add3A_466 : vector<16xi32>
        %select_n3A_468 = arith.select %lt3A_464, %add3A_467, %min3A_117 : vector<16xi1>, vector<16xi32>
        %broadcast_in_dim3A_469 = vector.shape_cast %select_n3A_468 : vector<16xi32> to vector<16x1xi32>
        %gather3A_470 = vector.shape_cast %broadcast_in_dim3A_469 : vector<16x1xi32> to vector<16xi32>
        %gather3A_471 = tpu.dynamic_gather %get3A_461[%gather3A_470] in [0] : vector<16xi32>, vector<16xi32> -> vector<16xi32>
        %lt3A_472 = arith.constant 0 : i32
        %lt3A_473 = vector.broadcast %lt3A_472 : i32 to vector<16xi32>
        %lt3A_474 = arith.cmpi slt, %max3A_121, %lt3A_473 : vector<16xi32>
        %add3A_475 = arith.constant 16 : i32
        %add3A_476 = vector.broadcast %add3A_475 : i32 to vector<16xi32>
        %add3A_477 = arith.addi %max3A_121, %add3A_476 : vector<16xi32>
        %select_n3A_478 = arith.select %lt3A_474, %add3A_477, %max3A_121 : vector<16xi1>, vector<16xi32>
        %broadcast_in_dim3A_479 = vector.shape_cast %select_n3A_478 : vector<16xi32> to vector<16x1xi32>
        %gather3A_480 = vector.shape_cast %broadcast_in_dim3A_479 : vector<16x1xi32> to vector<16xi32>
        %gather3A_481 = tpu.dynamic_gather %get3A_461[%gather3A_480] in [0] : vector<16xi32>, vector<16xi32> -> vector<16xi32>
        %ne3A_482 = arith.cmpi ne, %get3A_461, %gather3A_471 : vector<16xi32>
        %or3A_483 = arith.ori %ne3A_482, %eq3A_123 : vector<16xi1>
        %ne3A_484 = arith.cmpi ne, %get3A_461, %gather3A_481 : vector<16xi32>
        %or3A_485 = arith.ori %ne3A_484, %eq3A_126 : vector<16xi1>
        %jit3A_486 = arith.constant 0 : i32
        %broadcast_in_dim3A_487 = vector.broadcast %jit3A_486 : i32 to vector<16xi32>
        %select_n3A_488 = arith.select %or3A_485, %iota3A, %broadcast_in_dim3A_487 : vector<16xi1>, vector<16xi32>
        %broadcast_in_dim3A_489 = arith.constant true
        %broadcast_in_dim3A_490 = vector.broadcast %broadcast_in_dim3A_489 : i1 to vector<16xi1>
        %masked_cummax3A_491 = arith.constant -2147483648 : i32
        %masked_cummax3A_492 = vector.broadcast %masked_cummax3A_491 : i32 to vector<16xi32>
        %masked_cummax3A_493 = arith.xori %select_n3A_488, %masked_cummax3A_492 : vector<16xi32>
        %masked_cummax3A_494 = tpu.scan <max>, %masked_cummax3A_493 masked %broadcast_in_dim3A_490 : vector<16xi32>, vector<16xi1> -> vector<16xi32>
        %masked_cummax3A_495 = arith.xori %masked_cummax3A_494, %masked_cummax3A_492 : vector<16xi32>
        %broadcast_in_dim3A_496 = arith.constant true
        %broadcast_in_dim3A_497 = vector.broadcast %broadcast_in_dim3A_496 : i1 to vector<16xi1>
        %masked_cumsum3A_498 = tpu.scan <sum>, %sub3A_457 masked %broadcast_in_dim3A_497 : vector<16xf32>, vector<16xi1> -> vector<16xf32>
        %eq3A_499 = arith.constant 0 : i32
        %eq3A_500 = vector.broadcast %eq3A_499 : i32 to vector<16xi32>
        %eq3A_501 = arith.cmpi eq, %masked_cummax3A_495, %eq3A_500 : vector<16xi32>
        %sub3A_502 = arith.constant 1 : i32
        %sub3A_503 = vector.broadcast %sub3A_502 : i32 to vector<16xi32>
        %sub3A_504 = arith.subi %masked_cummax3A_495, %sub3A_503 : vector<16xi32>
        %max3A_505 = arith.constant 0 : i32
        %max3A_506 = vector.broadcast %max3A_505 : i32 to vector<16xi32>
        %max3A_507 = arith.maxsi %sub3A_504, %max3A_506 : vector<16xi32>
        %lt3A_508 = arith.constant 0 : i32
        %lt3A_509 = vector.broadcast %lt3A_508 : i32 to vector<16xi32>
        %lt3A_510 = arith.cmpi slt, %max3A_507, %lt3A_509 : vector<16xi32>
        %add3A_511 = arith.constant 16 : i32
        %add3A_512 = vector.broadcast %add3A_511 : i32 to vector<16xi32>
        %add3A_513 = arith.addi %max3A_507, %add3A_512 : vector<16xi32>
        %select_n3A_514 = arith.select %lt3A_510, %add3A_513, %max3A_507 : vector<16xi1>, vector<16xi32>
        %broadcast_in_dim3A_515 = vector.shape_cast %select_n3A_514 : vector<16xi32> to vector<16x1xi32>
        %gather3A_516 = vector.shape_cast %broadcast_in_dim3A_515 : vector<16x1xi32> to vector<16xi32>
        %gather3A_517 = tpu.dynamic_gather %masked_cumsum3A_498[%gather3A_516] in [0] : vector<16xf32>, vector<16xi32> -> vector<16xf32>
        %jit3A_518 = arith.constant 0.000000e+00 : f32
        %broadcast_in_dim3A_519 = vector.broadcast %jit3A_518 : f32 to vector<16xf32>
        %select_n3A_520 = arith.select %eq3A_501, %broadcast_in_dim3A_519, %gather3A_517 : vector<16xi1>, vector<16xf32>
        %sub3A_521 = arith.subf %masked_cumsum3A_498, %select_n3A_520 : vector<16xf32>
        %convert_element_type3A_522 = arith.sitofp %masked_cummax3A_495 : vector<16xi32> to vector<16xf32>
        %sub3A_523 = arith.subf %convert_element_type3A_127, %convert_element_type3A_522 : vector<16xf32>
        %add3A_524 = arith.constant 1.000000e+00 : f32
        %add3A_525 = vector.broadcast %add3A_524 : f32 to vector<16xf32>
        %add3A_526 = arith.addf %sub3A_523, %add3A_525 : vector<16xf32>
        tpu.vector_store_idx %arg18[%get3A_461], %sub3A_521 masked %or3A_483 {add = true} : memref<10240xf32, #tpu.memory_space<vmem>>[vector<16xi32>], vector<16xf32>, vector<16xi1>
        tpu.vector_store_idx %arg19[%get3A_461], %add3A_526 masked %or3A_483 {add = true} : memref<10240xf32, #tpu.memory_space<vmem>>[vector<16xi32>], vector<16xf32>, vector<16xi1>
        %mul3A_527 = arith.constant 800 : i32
        %mul3A_528 = arith.muli %rem3A_75, %mul3A_527 : i32
        %mul3A_529 = arith.constant 5 : i32
        %mul3A_530 = arith.muli %scan3A_143, %mul3A_529 : i32
        %add3A_531 = arith.constant 4 : i32
        %add3A_532 = arith.addi %mul3A_530, %add3A_531 : i32
        %mul3A_533 = arith.constant 16 : i32
        %mul3A_534 = arith.muli %add3A_532, %mul3A_533 : i32
        %add3A_535 = arith.addi %mul3A_528, %mul3A_534 : i32
        %get3A_536 = arith.index_cast %add3A_535 : i32 to index
        %get3A_537 = tpu.vector_load %arg12[%get3A_536] {strides = array<i32>} : memref<1600xi32, #tpu.memory_space<vmem>>, vector<16xi32>,
        %gather3A_538 = tpu.vector_load_idx %arg11[%get3A_537] : memref<100096xf32, #tpu.memory_space<vmem>>[vector<16xi32>], vector<16xf32>,
        %mul3A_539 = arith.mulf %gather3A_538, %gather3A_538 : vector<16xf32>
        %get3A_540 = arith.index_cast %add3A_535 : i32 to index
        %get3A_541 = tpu.vector_load %arg14[%get3A_540] {strides = array<i32>} : memref<1600xf32, #tpu.memory_space<vmem>>, vector<16xf32>,
        %mul3A_542 = arith.mulf %mul3A_539, %get3A_541 : vector<16xf32>
        %get3A_543 = arith.index_cast %add3A_535 : i32 to index
        %get3A_544 = tpu.vector_load %arg15[%get3A_543] {strides = array<i32>} : memref<1600xf32, #tpu.memory_space<vmem>>, vector<16xf32>,
        %sub3A_545 = arith.subf %mul3A_542, %get3A_544 : vector<16xf32>
        %get3A_546 = arith.index_cast %add3A_535 : i32 to index
        %get3A_547 = tpu.vector_load %arg16[%get3A_546] {strides = array<i32>} : memref<1600xf32, #tpu.memory_space<vmem>>, vector<16xf32>,
        %mul3A_548 = arith.mulf %sub3A_545, %get3A_547 : vector<16xf32>
        %get3A_549 = arith.index_cast %add3A_535 : i32 to index
        %get3A_550 = tpu.vector_load %arg17[%get3A_549] {strides = array<i32>} : memref<1600xf32, #tpu.memory_space<vmem>>, vector<16xf32>,
        %mul3A_551 = arith.constant 5.000000e-01 : f32
        %mul3A_552 = vector.broadcast %mul3A_551 : f32 to vector<16xf32>
        %mul3A_553 = arith.mulf %mul3A_552, %mul3A_548 : vector<16xf32>
        %mul3A_554 = arith.mulf %mul3A_553, %mul3A_548 : vector<16xf32>
        %sub3A_555 = arith.subf %get3A_550, %mul3A_554 : vector<16xf32>
        %swap3A_556 = arith.index_cast %add3A_535 : i32 to index
        %swap3A_557 = tpu.vector_load %arg14[%swap3A_556] {strides = array<i32>} : memref<1600xf32, #tpu.memory_space<vmem>>, vector<16xf32>,
        tpu.vector_store %arg14[%swap3A_556], %mul3A_542 {strides = array<i32>} : memref<1600xf32, #tpu.memory_space<vmem>>, vector<16xf32>,
        %get3A_558 = arith.index_cast %add3A_535 : i32 to index
        %get3A_559 = tpu.vector_load %arg13[%get3A_558] {strides = array<i32>} : memref<1600xi32, #tpu.memory_space<vmem>>, vector<16xi32>,
        %lt3A_560 = arith.constant 0 : i32
        %lt3A_561 = vector.broadcast %lt3A_560 : i32 to vector<16xi32>
        %lt3A_562 = arith.cmpi slt, %min3A_117, %lt3A_561 : vector<16xi32>
        %add3A_563 = arith.constant 16 : i32
        %add3A_564 = vector.broadcast %add3A_563 : i32 to vector<16xi32>
        %add3A_565 = arith.addi %min3A_117, %add3A_564 : vector<16xi32>
        %select_n3A_566 = arith.select %lt3A_562, %add3A_565, %min3A_117 : vector<16xi1>, vector<16xi32>
        %broadcast_in_dim3A_567 = vector.shape_cast %select_n3A_566 : vector<16xi32> to vector<16x1xi32>
        %gather3A_568 = vector.shape_cast %broadcast_in_dim3A_567 : vector<16x1xi32> to vector<16xi32>
        %gather3A_569 = tpu.dynamic_gather %get3A_559[%gather3A_568] in [0] : vector<16xi32>, vector<16xi32> -> vector<16xi32>
        %lt3A_570 = arith.constant 0 : i32
        %lt3A_571 = vector.broadcast %lt3A_570 : i32 to vector<16xi32>
        %lt3A_572 = arith.cmpi slt, %max3A_121, %lt3A_571 : vector<16xi32>
        %add3A_573 = arith.constant 16 : i32
        %add3A_574 = vector.broadcast %add3A_573 : i32 to vector<16xi32>
        %add3A_575 = arith.addi %max3A_121, %add3A_574 : vector<16xi32>
        %select_n3A_576 = arith.select %lt3A_572, %add3A_575, %max3A_121 : vector<16xi1>, vector<16xi32>
        %broadcast_in_dim3A_577 = vector.shape_cast %select_n3A_576 : vector<16xi32> to vector<16x1xi32>
        %gather3A_578 = vector.shape_cast %broadcast_in_dim3A_577 : vector<16x1xi32> to vector<16xi32>
        %gather3A_579 = tpu.dynamic_gather %get3A_559[%gather3A_578] in [0] : vector<16xi32>, vector<16xi32> -> vector<16xi32>
        %ne3A_580 = arith.cmpi ne, %get3A_559, %gather3A_569 : vector<16xi32>
        %or3A_581 = arith.ori %ne3A_580, %eq3A_123 : vector<16xi1>
        %ne3A_582 = arith.cmpi ne, %get3A_559, %gather3A_579 : vector<16xi32>
        %or3A_583 = arith.ori %ne3A_582, %eq3A_126 : vector<16xi1>
        %jit3A_584 = arith.constant 0 : i32
        %broadcast_in_dim3A_585 = vector.broadcast %jit3A_584 : i32 to vector<16xi32>
        %select_n3A_586 = arith.select %or3A_583, %iota3A, %broadcast_in_dim3A_585 : vector<16xi1>, vector<16xi32>
        %broadcast_in_dim3A_587 = arith.constant true
        %broadcast_in_dim3A_588 = vector.broadcast %broadcast_in_dim3A_587 : i1 to vector<16xi1>
        %masked_cummax3A_589 = arith.constant -2147483648 : i32
        %masked_cummax3A_590 = vector.broadcast %masked_cummax3A_589 : i32 to vector<16xi32>
        %masked_cummax3A_591 = arith.xori %select_n3A_586, %masked_cummax3A_590 : vector<16xi32>
        %masked_cummax3A_592 = tpu.scan <max>, %masked_cummax3A_591 masked %broadcast_in_dim3A_588 : vector<16xi32>, vector<16xi1> -> vector<16xi32>
        %masked_cummax3A_593 = arith.xori %masked_cummax3A_592, %masked_cummax3A_590 : vector<16xi32>
        %broadcast_in_dim3A_594 = arith.constant true
        %broadcast_in_dim3A_595 = vector.broadcast %broadcast_in_dim3A_594 : i1 to vector<16xi1>
        %masked_cumsum3A_596 = tpu.scan <sum>, %sub3A_555 masked %broadcast_in_dim3A_595 : vector<16xf32>, vector<16xi1> -> vector<16xf32>
        %eq3A_597 = arith.constant 0 : i32
        %eq3A_598 = vector.broadcast %eq3A_597 : i32 to vector<16xi32>
        %eq3A_599 = arith.cmpi eq, %masked_cummax3A_593, %eq3A_598 : vector<16xi32>
        %sub3A_600 = arith.constant 1 : i32
        %sub3A_601 = vector.broadcast %sub3A_600 : i32 to vector<16xi32>
        %sub3A_602 = arith.subi %masked_cummax3A_593, %sub3A_601 : vector<16xi32>
        %max3A_603 = arith.constant 0 : i32
        %max3A_604 = vector.broadcast %max3A_603 : i32 to vector<16xi32>
        %max3A_605 = arith.maxsi %sub3A_602, %max3A_604 : vector<16xi32>
        %lt3A_606 = arith.constant 0 : i32
        %lt3A_607 = vector.broadcast %lt3A_606 : i32 to vector<16xi32>
        %lt3A_608 = arith.cmpi slt, %max3A_605, %lt3A_607 : vector<16xi32>
        %add3A_609 = arith.constant 16 : i32
        %add3A_610 = vector.broadcast %add3A_609 : i32 to vector<16xi32>
        %add3A_611 = arith.addi %max3A_605, %add3A_610 : vector<16xi32>
        %select_n3A_612 = arith.select %lt3A_608, %add3A_611, %max3A_605 : vector<16xi1>, vector<16xi32>
        %broadcast_in_dim3A_613 = vector.shape_cast %select_n3A_612 : vector<16xi32> to vector<16x1xi32>
        %gather3A_614 = vector.shape_cast %broadcast_in_dim3A_613 : vector<16x1xi32> to vector<16xi32>
        %gather3A_615 = tpu.dynamic_gather %masked_cumsum3A_596[%gather3A_614] in [0] : vector<16xf32>, vector<16xi32> -> vector<16xf32>
        %jit3A_616 = arith.constant 0.000000e+00 : f32
        %broadcast_in_dim3A_617 = vector.broadcast %jit3A_616 : f32 to vector<16xf32>
        %select_n3A_618 = arith.select %eq3A_599, %broadcast_in_dim3A_617, %gather3A_615 : vector<16xi1>, vector<16xf32>
        %sub3A_619 = arith.subf %masked_cumsum3A_596, %select_n3A_618 : vector<16xf32>
        %convert_element_type3A_620 = arith.sitofp %masked_cummax3A_593 : vector<16xi32> to vector<16xf32>
        %sub3A_621 = arith.subf %convert_element_type3A_127, %convert_element_type3A_620 : vector<16xf32>
        %add3A_622 = arith.constant 1.000000e+00 : f32
        %add3A_623 = vector.broadcast %add3A_622 : f32 to vector<16xf32>
        %add3A_624 = arith.addf %sub3A_621, %add3A_623 : vector<16xf32>
        tpu.vector_store_idx %arg18[%get3A_559], %sub3A_619 masked %or3A_581 {add = true} : memref<10240xf32, #tpu.memory_space<vmem>>[vector<16xi32>], vector<16xf32>, vector<16xi1>
        tpu.vector_store_idx %arg19[%get3A_559], %add3A_624 masked %or3A_581 {add = true} : memref<10240xf32, #tpu.memory_space<vmem>>[vector<16xi32>], vector<16xf32>, vector<16xi1>
      }
      %scan3A_133 = arith.constant 10 : i32
      %mul3A_134 = arith.constant 800 : i32
      %mul3A_135 = arith.muli %scan3A_73, %mul3A_134 : i32
      %add3A_136 = arith.addi %mul3A_2, %mul3A_135 : i32
      %mul3A_137 = arith.constant 800 : i32
      %mul3A_138 = arith.muli %rem3A_75, %mul3A_137 : i32
      %dma_start3A_139 = tpu.memref_slice %arg14[%mul3A_138] : memref<1600xf32, #tpu.memory_space<vmem>> -> memref<800xf32, #tpu.memory_space<vmem>>
      %dma_start3A_140 = tpu.memref_slice %arg9[%add3A_136] : memref<640000xf32, #tpu.memory_space<hbm>> -> memref<800xf32, #tpu.memory_space<hbm>>
      %dma_start3A_141 = tpu.memref_slice %arg9[%add3A_136] : memref<640000xf32, #tpu.memory_space<hbm>> -> memref<800xf32, #tpu.memory_space<hbm>>
      %dma_start3A_142 = tpu.memref_slice %arg14[%mul3A_138] : memref<1600xf32, #tpu.memory_space<vmem>> -> memref<800xf32, #tpu.memory_space<vmem>>
      tpu.enqueue_dma source(%dma_start3A_142 : memref<800xf32, #tpu.memory_space<vmem>>) target(%dma_start3A_141 : memref<800xf32, #tpu.memory_space<hbm>>) target_semaphore(%arg21 : memref<!tpu.dma_semaphore, #tpu.memory_space<semaphore_mem>>)
    }
    %scan3A_51 = arith.constant 25 : i32
    %rem3A = arith.constant 23 : i32
    %rem3A_52 = arith.constant 2 : i32
    %rem3A_53 = arith.remsi %rem3A, %rem3A_52 : i32
    %add3A_54 = arith.constant 18400 : i32
    %add3A_55 = arith.addi %mul3A_2, %add3A_54 : i32
    %mul3A_56 = arith.constant 800 : i32
    %mul3A_57 = arith.muli %rem3A_53, %mul3A_56 : i32
    %dma_wait3A = tpu.memref_slice %arg14[%mul3A_57] : memref<1600xf32, #tpu.memory_space<vmem>> -> memref<800xf32, #tpu.memory_space<vmem>>
    %dma_wait3A_58 = tpu.memref_slice %arg9[%add3A_55] : memref<640000xf32, #tpu.memory_space<hbm>> -> memref<800xf32, #tpu.memory_space<hbm>>
    %dma_wait3A_59 = tpu.memref_slice %arg9[%add3A_55] : memref<640000xf32, #tpu.memory_space<hbm>> -> memref<800xf32, #tpu.memory_space<hbm>>
    %dma_wait3A_60 = tpu.memref_slice %arg14[%mul3A_57] : memref<1600xf32, #tpu.memory_space<vmem>> -> memref<800xf32, #tpu.memory_space<vmem>>
    tpu.wait_dma2 semaphore(%arg21 : memref<!tpu.dma_semaphore, #tpu.memory_space<semaphore_mem>>) src(%dma_wait3A_60 : memref<800xf32, #tpu.memory_space<vmem>>) dst(%dma_wait3A_59 : memref<800xf32, #tpu.memory_space<hbm>>)
    %rem3A_61 = arith.constant 24 : i32
    %rem3A_62 = arith.constant 2 : i32
    %rem3A_63 = arith.remsi %rem3A_61, %rem3A_62 : i32
    %add3A_64 = arith.constant 19200 : i32
    %add3A_65 = arith.addi %mul3A_2, %add3A_64 : i32
    %mul3A_66 = arith.constant 800 : i32
    %mul3A_67 = arith.muli %rem3A_63, %mul3A_66 : i32
    %dma_wait3A_68 = tpu.memref_slice %arg14[%mul3A_67] : memref<1600xf32, #tpu.memory_space<vmem>> -> memref<800xf32, #tpu.memory_space<vmem>>
    %dma_wait3A_69 = tpu.memref_slice %arg9[%add3A_65] : memref<640000xf32, #tpu.memory_space<hbm>> -> memref<800xf32, #tpu.memory_space<hbm>>
    %dma_wait3A_70 = tpu.memref_slice %arg9[%add3A_65] : memref<640000xf32, #tpu.memory_space<hbm>> -> memref<800xf32, #tpu.memory_space<hbm>>
    %dma_wait3A_71 = tpu.memref_slice %arg14[%mul3A_67] : memref<1600xf32, #tpu.memory_space<vmem>> -> memref<800xf32, #tpu.memory_space<vmem>>
    tpu.wait_dma2 semaphore(%arg21 : memref<!tpu.dma_semaphore, #tpu.memory_space<semaphore_mem>>) src(%dma_wait3A_71 : memref<800xf32, #tpu.memory_space<vmem>>) dst(%dma_wait3A_70 : memref<800xf32, #tpu.memory_space<hbm>>)
    %run_scoped3A = arith.constant 0 : i32
    "tpu.region"() ({
      %run_scoped3A_73 = tpu.sem_alloc : memref<!tpu.dma_semaphore, #tpu.memory_space<semaphore_mem>>
      %dma_start3A_74 = arith.constant 0 : i32
      %dma_start3A_75 = tpu.memref_slice %arg10[%add3A, %run_scoped3A, %dma_start3A_74] : memref<32x2x10240xf32, #tpu.memory_space<hbm>> -> memref<1x1x10240xf32, #tpu.memory_space<hbm>>
      %dma_start3A_76 = tpu.memref_squeeze %dma_start3A_75 : memref<1x1x10240xf32, #tpu.memory_space<hbm>> -> memref<10240xf32, #tpu.memory_space<hbm>>
      %dma_start3A_77 = arith.constant 0 : i32
      %dma_start3A_78 = tpu.memref_slice %arg10[%add3A, %run_scoped3A, %dma_start3A_77] : memref<32x2x10240xf32, #tpu.memory_space<hbm>> -> memref<1x1x10240xf32, #tpu.memory_space<hbm>>
      %dma_start3A_79 = tpu.memref_squeeze %dma_start3A_78 : memref<1x1x10240xf32, #tpu.memory_space<hbm>> -> memref<10240xf32, #tpu.memory_space<hbm>>
      tpu.enqueue_dma source(%arg18 : memref<10240xf32, #tpu.memory_space<vmem>>) target(%dma_start3A_79 : memref<10240xf32, #tpu.memory_space<hbm>>) target_semaphore(%run_scoped3A_73 : memref<!tpu.dma_semaphore, #tpu.memory_space<semaphore_mem>>)
      %dma_wait3A_80 = arith.constant 0 : i32
      %dma_wait3A_81 = tpu.memref_slice %arg10[%add3A, %run_scoped3A, %dma_wait3A_80] : memref<32x2x10240xf32, #tpu.memory_space<hbm>> -> memref<1x1x10240xf32, #tpu.memory_space<hbm>>
      %dma_wait3A_82 = tpu.memref_squeeze %dma_wait3A_81 : memref<1x1x10240xf32, #tpu.memory_space<hbm>> -> memref<10240xf32, #tpu.memory_space<hbm>>
      %dma_wait3A_83 = arith.constant 0 : i32
      %dma_wait3A_84 = tpu.memref_slice %arg10[%add3A, %run_scoped3A, %dma_wait3A_83] : memref<32x2x10240xf32, #tpu.memory_space<hbm>> -> memref<1x1x10240xf32, #tpu.memory_space<hbm>>
      %dma_wait3A_85 = tpu.memref_squeeze %dma_wait3A_84 : memref<1x1x10240xf32, #tpu.memory_space<hbm>> -> memref<10240xf32, #tpu.memory_space<hbm>>
      tpu.wait_dma2 semaphore(%run_scoped3A_73 : memref<!tpu.dma_semaphore, #tpu.memory_space<semaphore_mem>>) src(%arg18 : memref<10240xf32, #tpu.memory_space<vmem>>) dst(%dma_wait3A_85 : memref<10240xf32, #tpu.memory_space<hbm>>)
      tpu.yield
    }) : () -> ()
    %run_scoped3A_72 = arith.constant 1 : i32
    "tpu.region"() ({
      %run_scoped3A_73 = tpu.sem_alloc : memref<!tpu.dma_semaphore, #tpu.memory_space<semaphore_mem>>
      %dma_start3A_74 = arith.constant 0 : i32
      %dma_start3A_75 = tpu.memref_slice %arg10[%add3A, %run_scoped3A_72, %dma_start3A_74] : memref<32x2x10240xf32, #tpu.memory_space<hbm>> -> memref<1x1x10240xf32, #tpu.memory_space<hbm>>
      %dma_start3A_76 = tpu.memref_squeeze %dma_start3A_75 : memref<1x1x10240xf32, #tpu.memory_space<hbm>> -> memref<10240xf32, #tpu.memory_space<hbm>>
      %dma_start3A_77 = arith.constant 0 : i32
      %dma_start3A_78 = tpu.memref_slice %arg10[%add3A, %run_scoped3A_72, %dma_start3A_77] : memref<32x2x10240xf32, #tpu.memory_space<hbm>> -> memref<1x1x10240xf32, #tpu.memory_space<hbm>>
      %dma_start3A_79 = tpu.memref_squeeze %dma_start3A_78 : memref<1x1x10240xf32, #tpu.memory_space<hbm>> -> memref<10240xf32, #tpu.memory_space<hbm>>
      tpu.enqueue_dma source(%arg19 : memref<10240xf32, #tpu.memory_space<vmem>>) target(%dma_start3A_79 : memref<10240xf32, #tpu.memory_space<hbm>>) target_semaphore(%run_scoped3A_73 : memref<!tpu.dma_semaphore, #tpu.memory_space<semaphore_mem>>)
      %dma_wait3A_80 = arith.constant 0 : i32
      %dma_wait3A_81 = tpu.memref_slice %arg10[%add3A, %run_scoped3A_72, %dma_wait3A_80] : memref<32x2x10240xf32, #tpu.memory_space<hbm>> -> memref<1x1x10240xf32, #tpu.memory_space<hbm>>
      %dma_wait3A_82 = tpu.memref_squeeze %dma_wait3A_81 : memref<1x1x10240xf32, #tpu.memory_space<hbm>> -> memref<10240xf32, #tpu.memory_space<hbm>>
      %dma_wait3A_83 = arith.constant 0 : i32
      %dma_wait3A_84 = tpu.memref_slice %arg10[%add3A, %run_scoped3A_72, %dma_wait3A_83] : memref<32x2x10240xf32, #tpu.memory_space<hbm>> -> memref<1x1x10240xf32, #tpu.memory_space<hbm>>
      %dma_wait3A_85 = tpu.memref_squeeze %dma_wait3A_84 : memref<1x1x10240xf32, #tpu.memory_space<hbm>> -> memref<10240xf32, #tpu.memory_space<hbm>>
      tpu.wait_dma2 semaphore(%run_scoped3A_73 : memref<!tpu.dma_semaphore, #tpu.memory_space<semaphore_mem>>) src(%arg19 : memref<10240xf32, #tpu.memory_space<vmem>>) dst(%dma_wait3A_85 : memref<10240xf32, #tpu.memory_space<hbm>>)
      tpu.yield
    }) : () -> ()
    return
  }
}

module attributes {stable_mosaic.version = 14 : i64} {
  func.func @_mlp_body(%arg0: i32, %arg1: memref<16x12800xf32, #tpu.memory_space<vmem>>, %arg2: memref<1x12800xf32, #tpu.memory_space<vmem>>, %arg3: memref<1x12800xf32, #tpu.memory_space<vmem>>, %arg4: memref<1x12800xf32, #tpu.memory_space<vmem>>, %arg5: memref<32x16xf32, #tpu.memory_space<vmem>>, %arg6: memref<32x1xf32, #tpu.memory_space<vmem>>, %arg7: memref<32x1xf32, #tpu.memory_space<vmem>>, %arg8: memref<32x1xf32, #tpu.memory_space<vmem>>, %arg9: memref<1x32xf32, #tpu.memory_space<vmem>>, %arg10: memref<1x1xf32, #tpu.memory_space<vmem>>, %arg11: memref<782x128xf32, #tpu.memory_space<vmem>>, %arg12: memref<782x128xf32, #tpu.memory_space<vmem>>, %arg13: memref<782x128xf32, #tpu.memory_space<vmem>>, %arg14: memref<1x12800xf32, #tpu.memory_space<vmem>>, %arg15: memref<1x12800xf32, #tpu.memory_space<vmem>>, %arg16: memref<1x12800xf32, #tpu.memory_space<vmem>>, %arg17: memref<782x128xf32, #tpu.memory_space<vmem>>, %arg18: memref<1x1xf32, #tpu.memory_space<vmem>>) attributes {dimension_semantics = [#tpu.dimension_semantics<arbitrary>], iteration_bounds = array<i64: 50>, scalar_prefetch = 0 : i64, scratch_operands = 0 : i64, tpu.core_type = #tpu.core_type<tc>, window_params = [{transform_indices = @transform_0, window_bounds = array<i64: 16, 12800>}, {transform_indices = @transform_1, window_bounds = array<i64: 1, 12800>}, {transform_indices = @transform_2, window_bounds = array<i64: 1, 12800>}, {transform_indices = @transform_3, window_bounds = array<i64: 1, 12800>}, {pipeline_mode = #tpu.pipeline_mode<synchronous>, transform_indices = @transform_4, window_bounds = array<i64: 32, 16>}, {pipeline_mode = #tpu.pipeline_mode<synchronous>, transform_indices = @transform_5, window_bounds = array<i64: 32, 1>}, {pipeline_mode = #tpu.pipeline_mode<synchronous>, transform_indices = @transform_6, window_bounds = array<i64: 32, 1>}, {pipeline_mode = #tpu.pipeline_mode<synchronous>, transform_indices = @transform_7, window_bounds = array<i64: 32, 1>}, {pipeline_mode = #tpu.pipeline_mode<synchronous>, transform_indices = @transform_8, window_bounds = array<i64: 1, 32>}, {pipeline_mode = #tpu.pipeline_mode<synchronous>, transform_indices = @transform_9, window_bounds = array<i64: 1, 1>}, {pipeline_mode = #tpu.pipeline_mode<synchronous>, transform_indices = @transform_10, window_bounds = array<i64: 782, 128>}, {pipeline_mode = #tpu.pipeline_mode<synchronous>, transform_indices = @transform_11, window_bounds = array<i64: 782, 128>}, {pipeline_mode = #tpu.pipeline_mode<synchronous>, transform_indices = @transform_12, window_bounds = array<i64: 782, 128>}, {transform_indices = @transform_13, window_bounds = array<i64: 1, 12800>}, {transform_indices = @transform_14, window_bounds = array<i64: 1, 12800>}, {transform_indices = @transform_15, window_bounds = array<i64: 1, 12800>}, {pipeline_mode = #tpu.pipeline_mode<synchronous>, transform_indices = @transform_16, window_bounds = array<i64: 782, 128>}, {pipeline_mode = #tpu.pipeline_mode<synchronous>, transform_indices = @transform_17, window_bounds = array<i64: 1, 1>}]} {
    %eq3A = arith.constant 0 : i32
    %eq3A_0 = arith.cmpi eq, %arg0, %eq3A : i32
    %convert_element_type3A = arith.extui %eq3A_0 : i1 to i32
    %cond3A = arith.constant 0 : i32
    %cond3A_1 = arith.cmpi ne, %convert_element_type3A, %cond3A : i32
    scf.if %cond3A_1 {
      %get3A_67 = arith.constant 0 : index
      %get3A_68 = arith.constant 0 : index
      %get3A_69 = vector.load %arg11[%get3A_67, %get3A_68] : memref<782x128xf32, #tpu.memory_space<vmem>>, vector<782x128xf32>
      %get3A_70 = arith.constant 0 : index
      %get3A_71 = arith.constant 0 : index
      %get3A_72 = vector.load %arg12[%get3A_70, %get3A_71] : memref<782x128xf32, #tpu.memory_space<vmem>>, vector<782x128xf32>
      %max3A_73 = arith.constant 0.000000e+00 : f32
      %max3A_74 = vector.broadcast %max3A_73 : f32 to vector<782x128xf32>
      %max3A_75 = arith.maximumf %get3A_72, %max3A_74 : vector<782x128xf32>
      %abs3A_76 = math.absf %get3A_72 : vector<782x128xf32>
      %neg3A_77 = arith.constant 0.000000e+00 : f32
      %neg3A_78 = vector.broadcast %neg3A_77 : f32 to vector<782x128xf32>
      %neg3A_79 = arith.subf %neg3A_78, %abs3A_76 : vector<782x128xf32>
      %exp3A_80 = math.exp %neg3A_79 : vector<782x128xf32>
      %log1p3A_81 = math.log1p %exp3A_80 : vector<782x128xf32>
      %add3A_82 = arith.addf %max3A_75, %log1p3A_81 : vector<782x128xf32>
      %get3A_83 = arith.constant 0 : index
      %get3A_84 = arith.constant 0 : index
      %get3A_85 = vector.load %arg13[%get3A_83, %get3A_84] : memref<782x128xf32, #tpu.memory_space<vmem>>, vector<782x128xf32>
      %mul3A_86 = arith.mulf %add3A_82, %get3A_85 : vector<782x128xf32>
      %add3A_87 = arith.addf %get3A_69, %mul3A_86 : vector<782x128xf32>
      %swap3A_88 = arith.constant 0 : index
      %swap3A_89 = arith.constant 0 : index
      %swap3A_90 = vector.load %arg17[%swap3A_88, %swap3A_89] : memref<782x128xf32, #tpu.memory_space<vmem>>, vector<782x128xf32>
      tpu.vector_store %arg17[%swap3A_88, %swap3A_89], %add3A_87 {strides = array<i32>} : memref<782x128xf32, #tpu.memory_space<vmem>>, vector<782x128xf32>,
      %log3A_91 = math.log %add3A_82 : vector<782x128xf32>
      %neg3A_92 = arith.constant 0.000000e+00 : f32
      %neg3A_93 = vector.broadcast %neg3A_92 : f32 to vector<782x128xf32>
      %neg3A_94 = arith.subf %neg3A_93, %log3A_91 : vector<782x128xf32>
      %mul3A_95 = arith.mulf %add3A_82, %add3A_82 : vector<782x128xf32>
      %mul3A_96 = arith.mulf %get3A_69, %get3A_69 : vector<782x128xf32>
      %add3A_97 = arith.addf %mul3A_95, %mul3A_96 : vector<782x128xf32>
      %mul3A_98 = arith.constant 5.000000e-01 : f32
      %mul3A_99 = vector.broadcast %mul3A_98 : f32 to vector<782x128xf32>
      %mul3A_100 = arith.mulf %mul3A_99, %add3A_97 : vector<782x128xf32>
      %add3A_101 = arith.addf %neg3A_94, %mul3A_100 : vector<782x128xf32>
      %sub3A_102 = arith.constant 5.000000e-01 : f32
      %sub3A_103 = vector.broadcast %sub3A_102 : f32 to vector<782x128xf32>
      %sub3A_104 = arith.subf %add3A_101, %sub3A_103 : vector<782x128xf32>
      %iota3A = tpu.iota {dimensions = array<i32: 0>} : vector<782x128xi32>
      %iota3A_105 = tpu.iota {dimensions = array<i32: 1>} : vector<782x128xi32>
      %mul3A_106 = arith.constant 128 : i32
      %mul3A_107 = vector.broadcast %mul3A_106 : i32 to vector<782x128xi32>
      %mul3A_108 = arith.muli %iota3A, %mul3A_107 : vector<782x128xi32>
      %add3A_109 = arith.addi %mul3A_108, %iota3A_105 : vector<782x128xi32>
      %lt3A = arith.constant 100000 : i32
      %lt3A_110 = vector.broadcast %lt3A : i32 to vector<782x128xi32>
      %lt3A_111 = arith.cmpi slt, %add3A_109, %lt3A_110 : vector<782x128xi32>
      %jit3A = arith.constant 0.000000e+00 : f32
      %broadcast_in_dim3A = vector.broadcast %jit3A : f32 to vector<782x128xf32>
      %select_n3A = arith.select %lt3A_111, %sub3A_104, %broadcast_in_dim3A : vector<782x128xi1>, vector<782x128xf32>
      %reduce_sum3A = vector.shape_cast %select_n3A : vector<782x128xf32> to vector<1x782x128xf32>
      %reduce_sum3A_112 = arith.constant dense<0.000000e+00> : vector<1xf32>
      %reduce_sum3A_113 = vector.multi_reduction <add>, %reduce_sum3A, %reduce_sum3A_112 [1, 2] : vector<1x782x128xf32> to vector<1xf32>
      %reduce_sum3A_114 = vector.shape_cast %reduce_sum3A_113 : vector<1xf32> to vector<1x1x1xf32>
      %reduce_sum3A_115 = vector.extract %reduce_sum3A_114[0, 0, 0] : f32 from vector<1x1x1xf32>
      %mul3A_116 = arith.constant 9.99999974E-6 : f32
      %mul3A_117 = arith.mulf %reduce_sum3A_115, %mul3A_116 : f32
      %reshape3A = vector.broadcast %mul3A_117 : f32 to vector<1x1xf32>
      %swap3A_118 = arith.constant 0 : index
      %swap3A_119 = arith.constant 0 : index
      %swap3A_120 = vector.load %arg18[%swap3A_118, %swap3A_119] : memref<1x1xf32, #tpu.memory_space<vmem>>, vector<1x1xf32>
      tpu.vector_store %arg18[%swap3A_118, %swap3A_119], %reshape3A {strides = array<i32>} : memref<1x1xf32, #tpu.memory_space<vmem>>, vector<1x1xf32>,
    } else {
    }
    %get3A = arith.constant 0 : index
    %get3A_2 = arith.constant 0 : index
    %get3A_3 = vector.load %arg5[%get3A, %get3A_2] : memref<32x16xf32, #tpu.memory_space<vmem>>, vector<32x16xf32>
    %get3A_4 = arith.constant 0 : index
    %get3A_5 = arith.constant 0 : index
    %get3A_6 = vector.load %arg1[%get3A_4, %get3A_5] : memref<16x12800xf32, #tpu.memory_space<vmem>>, vector<16x12800xf32>
    %dot_general3A = arith.constant dense<0.000000e+00> : vector<32x12800xf32>
    %dot_general3A_7 = tpu.matmul %get3A_3, %get3A_6, %dot_general3A {dimension_numbers = #tpu.dot_dimension_numbers<[1], [0], [0], [1], [0, 0, 1, 1], [], []>, transpose_lhs_hint = false} : vector<32x16xf32>, vector<16x12800xf32>, vector<32x12800xf32> -> vector<32x12800xf32>
    %get3A_8 = arith.constant 0 : index
    %get3A_9 = arith.constant 0 : index
    %get3A_10 = vector.load %arg6[%get3A_8, %get3A_9] : memref<32x1xf32, #tpu.memory_space<vmem>>, vector<32x1xf32>
    %get3A_11 = arith.constant 0 : index
    %get3A_12 = arith.constant 0 : index
    %get3A_13 = vector.load %arg2[%get3A_11, %get3A_12] : memref<1x12800xf32, #tpu.memory_space<vmem>>, vector<1x12800xf32>
    %mul3A = vector.broadcast %get3A_10 : vector<32x1xf32> to vector<32x12800xf32>
    %mul3A_14 = vector.broadcast %get3A_13 : vector<1x12800xf32> to vector<32x12800xf32>
    %mul3A_15 = arith.mulf %mul3A, %mul3A_14 : vector<32x12800xf32>
    %add3A = arith.addf %dot_general3A_7, %mul3A_15 : vector<32x12800xf32>
    %get3A_16 = arith.constant 0 : index
    %get3A_17 = arith.constant 0 : index
    %get3A_18 = vector.load %arg7[%get3A_16, %get3A_17] : memref<32x1xf32, #tpu.memory_space<vmem>>, vector<32x1xf32>
    %get3A_19 = arith.constant 0 : index
    %get3A_20 = arith.constant 0 : index
    %get3A_21 = vector.load %arg3[%get3A_19, %get3A_20] : memref<1x12800xf32, #tpu.memory_space<vmem>>, vector<1x12800xf32>
    %mul3A_22 = vector.broadcast %get3A_18 : vector<32x1xf32> to vector<32x12800xf32>
    %mul3A_23 = vector.broadcast %get3A_21 : vector<1x12800xf32> to vector<32x12800xf32>
    %mul3A_24 = arith.mulf %mul3A_22, %mul3A_23 : vector<32x12800xf32>
    %add3A_25 = arith.addf %add3A, %mul3A_24 : vector<32x12800xf32>
    %get3A_26 = arith.constant 0 : index
    %get3A_27 = arith.constant 0 : index
    %get3A_28 = vector.load %arg8[%get3A_26, %get3A_27] : memref<32x1xf32, #tpu.memory_space<vmem>>, vector<32x1xf32>
    %add3A_29 = vector.broadcast %get3A_28 : vector<32x1xf32> to vector<32x12800xf32>
    %add3A_30 = arith.addf %add3A_25, %add3A_29 : vector<32x12800xf32>
    %max3A = arith.constant 0.000000e+00 : f32
    %max3A_31 = vector.broadcast %max3A : f32 to vector<32x12800xf32>
    %max3A_32 = arith.maximumf %add3A_30, %max3A_31 : vector<32x12800xf32>
    %get3A_33 = arith.constant 0 : index
    %get3A_34 = arith.constant 0 : index
    %get3A_35 = vector.load %arg9[%get3A_33, %get3A_34] : memref<1x32xf32, #tpu.memory_space<vmem>>, vector<1x32xf32>
    %dot_general3A_36 = arith.constant dense<0.000000e+00> : vector<1x12800xf32>
    %dot_general3A_37 = tpu.matmul %get3A_35, %max3A_32, %dot_general3A_36 {dimension_numbers = #tpu.dot_dimension_numbers<[1], [0], [0], [1], [0, 0, 1, 1], [], []>, transpose_lhs_hint = false} : vector<1x32xf32>, vector<32x12800xf32>, vector<1x12800xf32> -> vector<1x12800xf32>
    %get3A_38 = arith.constant 0 : index
    %get3A_39 = arith.constant 0 : index
    %get3A_40 = vector.load %arg10[%get3A_38, %get3A_39] : memref<1x1xf32, #tpu.memory_space<vmem>>, vector<1x1xf32>
    %add3A_41 = vector.broadcast %get3A_40 : vector<1x1xf32> to vector<1x12800xf32>
    %add3A_42 = arith.addf %dot_general3A_37, %add3A_41 : vector<1x12800xf32>
    %max3A_43 = arith.constant 0.000000e+00 : f32
    %max3A_44 = vector.broadcast %max3A_43 : f32 to vector<1x12800xf32>
    %max3A_45 = arith.maximumf %add3A_42, %max3A_44 : vector<1x12800xf32>
    %abs3A = math.absf %add3A_42 : vector<1x12800xf32>
    %neg3A = arith.constant 0.000000e+00 : f32
    %neg3A_46 = vector.broadcast %neg3A : f32 to vector<1x12800xf32>
    %neg3A_47 = arith.subf %neg3A_46, %abs3A : vector<1x12800xf32>
    %exp3A = math.exp %neg3A_47 : vector<1x12800xf32>
    %log1p3A = math.log1p %exp3A : vector<1x12800xf32>
    %add3A_48 = arith.addf %max3A_45, %log1p3A : vector<1x12800xf32>
    %swap3A = arith.constant 0 : index
    %swap3A_49 = arith.constant 0 : index
    %swap3A_50 = vector.load %arg14[%swap3A, %swap3A_49] : memref<1x12800xf32, #tpu.memory_space<vmem>>, vector<1x12800xf32>
    tpu.vector_store %arg14[%swap3A, %swap3A_49], %add3A_48 {strides = array<i32>} : memref<1x12800xf32, #tpu.memory_space<vmem>>, vector<1x12800xf32>,
    %get3A_51 = arith.constant 0 : index
    %get3A_52 = arith.constant 0 : index
    %get3A_53 = vector.load %arg4[%get3A_51, %get3A_52] : memref<1x12800xf32, #tpu.memory_space<vmem>>, vector<1x12800xf32>
    %div3A = arith.constant 1.000000e+00 : f32
    %div3A_54 = vector.broadcast %div3A : f32 to vector<1x12800xf32>
    %div3A_55 = arith.divf %div3A_54, %get3A_53 : vector<1x12800xf32>
    %swap3A_56 = arith.constant 0 : index
    %swap3A_57 = arith.constant 0 : index
    %swap3A_58 = vector.load %arg15[%swap3A_56, %swap3A_57] : memref<1x12800xf32, #tpu.memory_space<vmem>>, vector<1x12800xf32>
    tpu.vector_store %arg15[%swap3A_56, %swap3A_57], %div3A_55 {strides = array<i32>} : memref<1x12800xf32, #tpu.memory_space<vmem>>, vector<1x12800xf32>,
    %log3A = math.log %get3A_53 : vector<1x12800xf32>
    %neg3A_59 = arith.constant 0.000000e+00 : f32
    %neg3A_60 = vector.broadcast %neg3A_59 : f32 to vector<1x12800xf32>
    %neg3A_61 = arith.subf %neg3A_60, %log3A : vector<1x12800xf32>
    %sub3A = arith.constant 0.918938517 : f32
    %sub3A_62 = vector.broadcast %sub3A : f32 to vector<1x12800xf32>
    %sub3A_63 = arith.subf %neg3A_61, %sub3A_62 : vector<1x12800xf32>
    %swap3A_64 = arith.constant 0 : index
    %swap3A_65 = arith.constant 0 : index
    %swap3A_66 = vector.load %arg16[%swap3A_64, %swap3A_65] : memref<1x12800xf32, #tpu.memory_space<vmem>>, vector<1x12800xf32>
    tpu.vector_store %arg16[%swap3A_64, %swap3A_65], %sub3A_63 {strides = array<i32>} : memref<1x12800xf32, #tpu.memory_space<vmem>>, vector<1x12800xf32>,
    return
  }
  func.func @transform_0(%arg0: i32) -> (i32, i32) {
    %c0_i32 = arith.constant 0 : i32
    %c0_i32_0 = arith.constant 0 : i32
    return %c0_i32, %arg0 : i32, i32
  }
  func.func @transform_1(%arg0: i32) -> (i32, i32) {
    %c0_i32 = arith.constant 0 : i32
    %c0_i32_0 = arith.constant 0 : i32
    return %c0_i32, %arg0 : i32, i32
  }
  func.func @transform_2(%arg0: i32) -> (i32, i32) {
    %c0_i32 = arith.constant 0 : i32
    %c0_i32_0 = arith.constant 0 : i32
    return %c0_i32, %arg0 : i32, i32
  }
  func.func @transform_3(%arg0: i32) -> (i32, i32) {
    %c0_i32 = arith.constant 0 : i32
    %c0_i32_0 = arith.constant 0 : i32
    return %c0_i32, %arg0 : i32, i32
  }
  func.func @transform_4(%arg0: i32) -> (i32, i32) {
    %c0_i32 = arith.constant 0 : i32
    %c0_i32_0 = arith.constant 0 : i32
    %c0_i32_1 = arith.constant 0 : i32
    return %c0_i32, %c0_i32_0 : i32, i32
  }
  func.func @transform_5(%arg0: i32) -> (i32, i32) {
    %c0_i32 = arith.constant 0 : i32
    %c0_i32_0 = arith.constant 0 : i32
    %c0_i32_1 = arith.constant 0 : i32
    return %c0_i32, %c0_i32_0 : i32, i32
  }
  func.func @transform_6(%arg0: i32) -> (i32, i32) {
    %c0_i32 = arith.constant 0 : i32
    %c0_i32_0 = arith.constant 0 : i32
    %c0_i32_1 = arith.constant 0 : i32
    return %c0_i32, %c0_i32_0 : i32, i32
  }
  func.func @transform_7(%arg0: i32) -> (i32, i32) {
    %c0_i32 = arith.constant 0 : i32
    %c0_i32_0 = arith.constant 0 : i32
    %c0_i32_1 = arith.constant 0 : i32
    return %c0_i32, %c0_i32_0 : i32, i32
  }
  func.func @transform_8(%arg0: i32) -> (i32, i32) {
    %c0_i32 = arith.constant 0 : i32
    %c0_i32_0 = arith.constant 0 : i32
    %c0_i32_1 = arith.constant 0 : i32
    return %c0_i32, %c0_i32_0 : i32, i32
  }
  func.func @transform_9(%arg0: i32) -> (i32, i32) {
    %c0_i32 = arith.constant 0 : i32
    %c0_i32_0 = arith.constant 0 : i32
    %c0_i32_1 = arith.constant 0 : i32
    return %c0_i32, %c0_i32_0 : i32, i32
  }
  func.func @transform_10(%arg0: i32) -> (i32, i32) {
    %c0_i32 = arith.constant 0 : i32
    %c0_i32_0 = arith.constant 0 : i32
    %c0_i32_1 = arith.constant 0 : i32
    return %c0_i32, %c0_i32_0 : i32, i32
  }
  func.func @transform_11(%arg0: i32) -> (i32, i32) {
    %c0_i32 = arith.constant 0 : i32
    %c0_i32_0 = arith.constant 0 : i32
    %c0_i32_1 = arith.constant 0 : i32
    return %c0_i32, %c0_i32_0 : i32, i32
  }
  func.func @transform_12(%arg0: i32) -> (i32, i32) {
    %c0_i32 = arith.constant 0 : i32
    %c0_i32_0 = arith.constant 0 : i32
    %c0_i32_1 = arith.constant 0 : i32
    return %c0_i32, %c0_i32_0 : i32, i32
  }
  func.func @transform_13(%arg0: i32) -> (i32, i32) {
    %c0_i32 = arith.constant 0 : i32
    %c0_i32_0 = arith.constant 0 : i32
    return %c0_i32, %arg0 : i32, i32
  }
  func.func @transform_14(%arg0: i32) -> (i32, i32) {
    %c0_i32 = arith.constant 0 : i32
    %c0_i32_0 = arith.constant 0 : i32
    return %c0_i32, %arg0 : i32, i32
  }
  func.func @transform_15(%arg0: i32) -> (i32, i32) {
    %c0_i32 = arith.constant 0 : i32
    %c0_i32_0 = arith.constant 0 : i32
    return %c0_i32, %arg0 : i32, i32
  }
  func.func @transform_16(%arg0: i32) -> (i32, i32) {
    %c0_i32 = arith.constant 0 : i32
    %c0_i32_0 = arith.constant 0 : i32
    %c0_i32_1 = arith.constant 0 : i32
    return %c0_i32, %c0_i32_0 : i32, i32
  }
  func.func @transform_17(%arg0: i32) -> (i32, i32) {
    %c0_i32 = arith.constant 0 : i32
    %c0_i32_0 = arith.constant 0 : i32
    %c0_i32_1 = arith.constant 0 : i32
    return %c0_i32, %c0_i32_0 : i32, i32
  }
}

module attributes {stable_mosaic.version = 14 : i64} {
  func.func @_nll_body(%arg0: memref<32x2x10240xf32, #tpu.memory_space<vmem>>, %arg1: memref<1x1xf32, #tpu.memory_space<vmem>>) attributes {dimension_semantics = [], scalar_prefetch = 0 : i64, scratch_operands = 0 : i64, tpu.core_type = #tpu.core_type<tc>} {
    %get3A = arith.constant 0 : index
    %get3A_0 = arith.constant 0 : index
    %get3A_1 = arith.constant 0 : index
    %get3A_2 = vector.load %arg0[%get3A, %get3A_0, %get3A_1] : memref<32x2x10240xf32, #tpu.memory_space<vmem>>, vector<32x2x10240xf32>
    %slice3A = vector.extract_strided_slice %get3A_2 {offsets = [0, 0, 0], sizes = [32, 1, 10240], strides = [1, 1, 1]} : vector<32x2x10240xf32> to vector<32x1x10240xf32>
    %squeeze3A = vector.shape_cast %slice3A : vector<32x1x10240xf32> to vector<32x10240xf32>
    %reduce_sum3A = arith.constant dense<0.000000e+00> : vector<10240xf32>
    %reduce_sum3A_3 = vector.multi_reduction <add>, %squeeze3A, %reduce_sum3A [0] : vector<32x10240xf32> to vector<10240xf32>
    %broadcast_in_dim3A = vector.shape_cast %reduce_sum3A_3 : vector<10240xf32> to vector<1x10240xf32>
    %slice3A_4 = vector.extract_strided_slice %get3A_2 {offsets = [0, 1, 0], sizes = [32, 1, 10240], strides = [1, 1, 1]} : vector<32x2x10240xf32> to vector<32x1x10240xf32>
    %squeeze3A_5 = vector.shape_cast %slice3A_4 : vector<32x1x10240xf32> to vector<32x10240xf32>
    %reduce_sum3A_6 = arith.constant dense<0.000000e+00> : vector<10240xf32>
    %reduce_sum3A_7 = vector.multi_reduction <add>, %squeeze3A_5, %reduce_sum3A_6 [0] : vector<32x10240xf32> to vector<10240xf32>
    %broadcast_in_dim3A_8 = vector.shape_cast %reduce_sum3A_7 : vector<10240xf32> to vector<1x10240xf32>
    %iota3A = tpu.iota {dimensions = array<i32: 1>} : vector<1x10240xi32>
    %lt3A = arith.constant 10000 : i32
    %lt3A_9 = vector.broadcast %lt3A : i32 to vector<1x10240xi32>
    %lt3A_10 = arith.cmpi slt, %iota3A, %lt3A_9 : vector<1x10240xi32>
    %max3A = arith.constant 1.000000e+00 : f32
    %max3A_11 = vector.broadcast %max3A : f32 to vector<1x10240xf32>
    %max3A_12 = arith.maximumf %broadcast_in_dim3A_8, %max3A_11 : vector<1x10240xf32>
    %div3A = arith.divf %broadcast_in_dim3A, %max3A_12 : vector<1x10240xf32>
    %jit3A = arith.constant 0.000000e+00 : f32
    %broadcast_in_dim3A_13 = vector.broadcast %jit3A : f32 to vector<1x10240xf32>
    %select_n3A = arith.select %lt3A_10, %div3A, %broadcast_in_dim3A_13 : vector<1x10240xi1>, vector<1x10240xf32>
    %reduce_sum3A_14 = vector.shape_cast %select_n3A : vector<1x10240xf32> to vector<1x1x10240xf32>
    %reduce_sum3A_15 = arith.constant dense<0.000000e+00> : vector<1xf32>
    %reduce_sum3A_16 = vector.multi_reduction <add>, %reduce_sum3A_14, %reduce_sum3A_15 [1, 2] : vector<1x1x10240xf32> to vector<1xf32>
    %reduce_sum3A_17 = vector.shape_cast %reduce_sum3A_16 : vector<1xf32> to vector<1x1x1xf32>
    %reduce_sum3A_18 = vector.extract %reduce_sum3A_17[0, 0, 0] : f32 from vector<1x1x1xf32>
    %neg3A = arith.constant 0.000000e+00 : f32
    %neg3A_19 = arith.subf %neg3A, %reduce_sum3A_18 : f32
    %mul3A = arith.constant 9.99999974E-5 : f32
    %mul3A_20 = arith.mulf %neg3A_19, %mul3A : f32
    %reshape3A = vector.broadcast %mul3A_20 : f32 to vector<1x1xf32>
    %swap3A = arith.constant 0 : index
    %swap3A_21 = arith.constant 0 : index
    %swap3A_22 = vector.load %arg1[%swap3A, %swap3A_21] : memref<1x1xf32, #tpu.memory_space<vmem>>, vector<1x1xf32>
    tpu.vector_store %arg1[%swap3A, %swap3A_21], %reshape3A {strides = array<i32>} : memref<1x1xf32, #tpu.memory_space<vmem>>, vector<1x1xf32>,
    return
  }
}

</mosaic_0001>

<sc_bundles>
// kernel: kernel.5.cloned.1.call-start
scs
__scs_entry_jumppad:
0x0: {  	(pc) =	sbr.rel $0x88, $3  }
0x1: {  	(tag) =	ssettag $0x0;
	lr =	simm.s32 $0x1  }
0x2: {  	[smem:$0x3F93] =	sst lr;
	_ =	strace $0xD0000000  }
0x3: {  	_ = 	snop  }
0x4: {  	_ = 	snop  }
0x5: {  	_ = 	snop  }
0x6: {  	_ = 	snop  }
0x7: {  	_ = 	snop  }
__scs_overlays_trampoline_lowered:
0x8: {  	[smem:$0x3FA2] =	sst s0  }
0x9: {  	[smem:$0x3FA3] =	sst s1  }
0xa: {  	[smem:$0x3FA4] =	sst s2  }
0xb: {  	[smem:$0x3FA5] =	sst s3  }
0xc: {  	[smem:$0x3FA6] =	sst s4  }
0xd: {  	[smem:$0x3FA7] =	sst s5  }
0xe: {  	[smem:$0x3FA8] =	sst s6  }
0xf: {  	[smem:$0x3FA9] =	sst s7  }
0x10: {  	[smem:$0x3FAA] =	sst s8  }
0x11: {  	[smem:$0x3FAB] =	sst s9;
	s0 =	simm.s32 @!p0 $0x0  }
0x12: {  	s1 =	sld [smem:$0x3F91];
	s0 =	simm.s32 @p0 $0x1  }
0x13: {  	[smem:$0x3FAC] =	sst s0;
	s0 =	simm.s32 @!p1 $0x0  }
0x14: {  	s2 =	sld [smem:$0x3F90];
	s0 =	simm.s32 @p1 $0x1  }
0x15: {  	[smem:$0x3FAD] =	sst s0;
	s0 =	simm.s32 @!p2 $0x0  }
0x16: {  	s3 =	sld [smem:$0x3FDB];
	s0 =	simm.s32 @p2 $0x1  }
0x17: {  	s4 =	simm.s32 $0x1BF5;
	[smem:$0x3FAF] =	sst s0  }
0x18: {  	s0 =	sld [smem:$0x3F92];
	_ =	swait.ge [sflag:s4], $0x0  }
0x19: {  	s7 =	sld [smem:$0x3F93]  }
0x1a: {  	s8 =	sadd.s32 $0xFFFFE003, lr  }
0x1b: {  	s9 =	sadd.s32 $0xFFFFFEF7, lr;
	s5 =	simm.s32 $0xFFFFFFFF;
	p2 =	slt.u32 s8, $0xFFFFF086  }
0x1c: {  	p1 =	slt.u32 s9, $0xF7A;
	s5 =	simm.s32 @!p2 $0x0  }
0x1d: {  	s5 =	simm.s32 @p1 $0x1;
	p0 =	seq.s32 s7, s2  }
0x1e: {  	s7 =	smul.u32 @!p0 $0xF7A, s2;
	p2 =	seq.s32 @!p0 s5, $0x0  }
0x1f: {  	s9 =	smul.u32 $0xF7A, s1;
	s8 =	simm.s32 @!p0 $0x1BF5;
	p2 =	por !p2, p0  }
0x20: {  	[sflag:s8] =	ssyncset.s32 @!p0 $0xFFFFF086;
	s6 =	sadd.s32 @!p0 s3, s7;
	s7 =	simm.s32 @!p0 $0x108  }
0x21: {  	s3 =	sadd.s32 s3, s9;
	s6 =	sadd.s32 @!p0 $0x88, s6;
	s7 =	simm.s32 @p2 $0x1082  }
0x22: {  	[simem:s7], [sflag:s8] =	dma.local @!p0 [hbm:s6], $0xF7A  }
0x23: {  	s9 =	sor.u32 $0xD0000000, s2;
	s6 =	simm.s32 $0x108;
	_ =	swait.ge @!p0 [sflag:s8], $0x0  }
0x24: {  	s3 =	sadd.s32 $0x88, s3;
	s6 =	simm.s32 @!p1 $0x1082;
	[sflag:s4] =	ssyncset.s32 $0xFFFFF086  }
0x25: {  	[simem:s6], [sflag:s4] =	dma.local [hbm:s3], $0xF7A  }
0x26: {  	[smem:$0x3F93] =	sst s1;
	(tag) =	ssettag s2;
	_ =	strace s9  }
0x27: {  	s1 =	sld [smem:$0x3FA3]  }
0x28: {  	s2 =	sld [smem:$0x3FA4]  }
0x29: {  	s4 =	sld [smem:$0x3FA6]  }
0x2a: {  	p0 =	seq.s32 s5, $0x0;
	s5 =	sld [smem:$0x3FA7]  }
0x2b: {  	s6 =	sld [smem:$0x3FA8]  }
0x2c: {  	s7 =	sld [smem:$0x3FA9]  }
0x2d: {  	s3 =	simm.s32 $0x108;
	s8 =	sld [smem:$0x3FAA]  }
0x2e: {  	s3 =	simm.s32 @!p0 $0x1082;
	s9 =	sld [smem:$0x3FAB]  }
0x2f: {  	lr =	sadd.s32 s0, s3;
	s0 =	sld [smem:$0x3FA2]  }
0x30: {  	s3 =	sld [smem:$0x3FA5]  }
0x31: {  	[smem:$0x3FAE] =	sst s10  }
0x32: {  	s10 =	sld [smem:$0x3FAC];
	_ =	sdelay $0x3  }
0x33: {  	p0 =	seq.s32 s10, $0x1;
	s10 =	sld [smem:$0x3FAE];
	_ =	sdelay $0x3  }
0x34: {  	[smem:$0x3FAE] =	sst s10  }
0x35: {  	s10 =	sld [smem:$0x3FAD];
	_ =	sdelay $0x3  }
0x36: {  	p1 =	seq.s32 s10, $0x1;
	s10 =	sld [smem:$0x3FAE];
	_ =	sdelay $0x3  }
0x37: {  	[smem:$0x3FAE] =	sst s10  }
0x38: {  	s10 =	sld [smem:$0x3FAF]  }
0x39: {  	_ = 	snop;
	(pc) =	sbr.ind lr, $3  }
0x3a: {  	_ = 	snop  }
0x3b: {  	_ = 	snop  }
0x3c: {  	p2 =	seq.s32 s10, $0x1;
	s10 =	sld [smem:$0x3FAE]  }
0x3d: {  	_ =	shalt  }
0x3e: {  	_ =	shalt  }
0x3f: {  	_ =	shalt  }
0x40: {  	_ =	shalt  }
0x41: {  	_ =	shalt  }
0x42: {  	_ =	shalt  }
0x43: {  	_ =	shalt  }
0x44: {  	_ =	shalt  }
0x45: {  	_ =	shalt  }
0x46: {  	_ =	shalt  }
0x47: {  	_ =	shalt  }
0x48: {  	_ =	shalt  }
0x49: {  	_ =	shalt  }
0x4a: {  	_ =	shalt  }
0x4b: {  	_ =	shalt  }
0x4c: {  	_ =	shalt  }
0x4d: {  	_ =	shalt  }
0x4e: {  	_ =	shalt  }
0x4f: {  	_ =	shalt  }
0x50: {  	_ =	shalt  }
0x51: {  	_ =	shalt  }
0x52: {  	_ =	shalt  }
0x53: {  	_ =	shalt  }
0x54: {  	_ =	shalt  }
0x55: {  	_ =	shalt  }
0x56: {  	_ =	shalt  }
0x57: {  	_ =	shalt  }
0x58: {  	_ =	shalt  }
0x59: {  	_ =	shalt  }
0x5a: {  	_ =	shalt  }
0x5b: {  	_ =	shalt  }
0x5c: {  	_ =	shalt  }
0x5d: {  	_ =	shalt  }
0x5e: {  	_ =	shalt  }
0x5f: {  	_ =	shalt  }
0x60: {  	_ =	shalt  }
0x61: {  	_ =	shalt  }
0x62: {  	_ =	shalt  }
0x63: {  	_ =	shalt  }
0x64: {  	_ =	shalt  }
0x65: {  	_ =	shalt  }
0x66: {  	_ =	shalt  }
0x67: {  	_ =	shalt  }
0x68: {  	_ =	shalt  }
0x69: {  	_ =	shalt  }
0x6a: {  	_ =	shalt  }
0x6b: {  	_ =	shalt  }
0x6c: {  	_ =	shalt  }
0x6d: {  	_ =	shalt  }
0x6e: {  	_ =	shalt  }
0x6f: {  	_ =	shalt  }
0x70: {  	_ =	shalt  }
0x71: {  	_ =	shalt  }
0x72: {  	_ =	shalt  }
0x73: {  	_ =	shalt  }
0x74: {  	_ =	shalt  }
0x75: {  	_ =	shalt  }
0x76: {  	_ =	shalt  }
0x77: {  	_ =	shalt  }
0x78: {  	_ =	shalt  }
0x79: {  	_ =	shalt  }
0x7a: {  	_ =	shalt  }
0x7b: {  	_ =	shalt  }
0x7c: {  	_ =	shalt  }
0x7d: {  	_ =	shalt  }
0x7e: {  	_ =	shalt  }
0x7f: {  	_ =	shalt  }
0x80: {  	_ =	shalt  }
0x81: {  	_ =	shalt  }
0x82: {  	_ =	shalt  }
0x83: {  	_ =	shalt  }
0x84: {  	_ =	shalt  }
0x85: {  	_ =	shalt  }
0x86: {  	_ =	shalt  }
0x87: {  	_ =	shalt  }
.Lfunc_end0:
.L_simem_size_0:
called_computation_lowered:
.L_overlay_start_0:
0x88: {  	s2 =	sld [smem:$0x3FD9]  }
0x89: {  	s3 =	sld [smem:$0x3FFE];
	_ =	sdelay $0x1  }
0x8a: {  	s1 =	srdreg.scid  }
0x8b: {  	s0 =	sand.u32 $0x1, s1  }
0x8c: {  	s14 =	sshll.u32 s0, $0xA;
	s2 =	sadd.s32 s3, s2  }
0x8d: {  	s2 =	sadd.s32 s2, s14  }
0x8e: {  	[smem:$0x3FBA] =	sst s2  }
0x8f: {  	_ = 	snop  }
0x90: {  	s2 =	sld [smem:$0x3FD0]  }
0x91: {  	s15 =	sld [smem:$0x3FC9]  }
0x92: {  	s4 =	sld [smem:$0x3FC8]  }
0x93: {  	s6 =	simm.s32 $0xA;
	s7 =	simm.s32 $0x10;
	s5 =	sld [smem:$0x3FC4]  }
0x94: {  	[smem:s7], [sflag:s6] =	dma.local [hbm:s2], $0x1  }
0x95: {  	_ =	swait.eq [sflag:s6], $0x1  }
0x96: {  	[sflag:s6] =	ssyncset.done $0x0  }
0x97: {  	[sflag:s6] =	ssyncadd.s32 $0xFFFFFFFF  }
0x98: {  	s16 =	sld [smem:$0x10];
	(tm) =	ssettm $0x1  }
0x99: {  	s17 =	sld [smem:$0x3FFB];
	_ =	sdelay $0x3  }
0x9a: {  	_ =	strace s17  }
0x9b: {  	s6 =	sld [smem:$0x3FFC];
	_ =	sdelay $0x3  }
0x9c: {  	_ =	strace s6  }
0x9d: {  	s6 =	sld [smem:$0x3FFD];
	_ =	sdelay $0x3  }
0x9e: {  	_ =	strace s6  }
0x9f: {  	_ =	strace $0x8FFFFFFF  }
0xa0: {  	s18 =	sld [smem:$0x3FDB];
	_ =	sdelay $0x1  }
0xa1: {  	s19 =	simm.s32 $_scs_section_size  }
0xa2: {  	s8 =	simm.s32 $_size__tile_overlayer_lowered;
	s9 =	simm.s32 $_tile_overlayer_lowered  }
0xa3: {  	s22 =	simm.s32 $0x1BFF;
	s21 =	sshll.u32 s9, $0x1;
	s6 =	sadd.s32 s19, s18  }
0xa4: {  	s10 =	simm.s32 $0x0;
	s20 =	sshll.u32 s8, $0x1;
	s8 =	sadd.s32 s21, s6  }
0xa5: {  	[timem:s10], [sflag:s22] =	dma.local [hbm:s8], s20  }
0xa6: {  	_ =	swait.ge [sflag:s22], s20  }
0xa7: {  	s7 =	ssub.s32 $0x0, s20;
	[sflag:s22] =	ssyncset.done $0x0  }
0xa8: {  	[sflag:s22] =	ssyncadd.s32 s7;
	_ =	sdelay $0x1  }
0xa9: {  	s23 =	simm.s32 $0x1B8B  }
0xaa: {  	_ =	swait.ge [sflag:s23], $0x1  }
0xab: {  	[sflag:s23] =	ssyncset.done $0x0  }
0xac: {  	s25 =	simm.s32 $0x1B8E;
	s24 =	sld [smem:$0x3FFE];
	[sflag:s23] =	ssyncadd.s32 $0xFFFFFFFF  }
0xad: {  	s26 =	simm.s32 $execute0_lowered;
	[smem:$0x3FD2] =	sst s25  }
0xae: {  	s8 =	sshll.u32 s26, $0x1;
	_ =	strace $0x80000046;
	[dreg:$0x1] =	wrdreg $0xFFFFFFFF  }
0xaf: {  	s28 =	simm.s32 $_size_execute0_lowered;
	s6 =	sadd.s32 s6, s8;
	[dreg:$0x0] =	wrdreg $0x0  }
0xb0: {  	s8 =	sshll.u32 s28, $0x1;
	[dreg:$0x2] =	wrdreg s6  }
0xb1: {  	[dreg:$0x3] =	wrdreg s8  }
0xb2: {  	[dreg:$0x4] =	wrdreg $0xC0  }
0xb3: {  	_ =	task [dreg:s10], $0x5FFFF  }
0xb4: {  	[dreg:$0x1] =	wrdreg $0xFFFFFFFF  }
0xb5: {  	[dreg:$0x0] =	wrdreg $0x60  }
0xb6: {  	[dreg:$0x2] =	wrdreg s24  }
0xb7: {  	[dreg:$0x3] =	wrdreg s4  }
0xb8: {  	[dreg:$0x4] =	wrdreg s15  }
0xb9: {  	[dreg:$0x5] =	wrdreg s5  }
0xba: {  	[dreg:$0x6] =	wrdreg s16  }
0xbb: {  	[dreg:$0x7] =	wrdreg $0x9  }
0xbc: {  	_ =	task.clear_ibuf [dreg:s10], $0x8FFFF;
	_ =	strace $0x90000046  }
0xbd: {  	s29 =	simm.s32 $0x9;
	_ =	strace $0x80000048  }
0xbe: {  	_ =	swait.ge [sflag:s29], $0x1  }
0xbf: {  	[sflag:s29] =	ssyncadd.s32 $0xFFFFFFFF  }
0xc0: {  	_ =	strace $0x90000048  }
0xc1: {  	_ =	sfence  }
0xc2: {  	s30 =	sld [smem:$0x0];
	_ =	sdelay $0x2  }
0xc3: {  	s31 =	sshll.u32 s1, $0xD;
	s1 =	sshrl.u32 s1, $0x2  }
0xc4: {  	s3 =	sand.u32 $0x4000, s31;
	s1 =	sadd.s32 s1, s30  }
0xc5: {  	s0 =	sor.u32 s3, s0;
	s1 =	sshll.u32 s1, $0x11  }
0xc6: {  	s0 =	sor.u32 s1, s0  }
0xc7: {  	s0 =	sadd.s32 $0x8F2B, s0  }
0xc8: {  	[sflag:s0] =	ssyncadd.remote.s32 $0x1  }
0xc9: {  	_ =	sfence.sel $0xFFFF  }
0xca: {  	[dreg:$0x0] =	wrdreg $0xFFFFFFFF;
	(pc) =	sbr.abs _section_cstart, $3  }
0xcb: {  	[dreg:$0x1] =	wrdreg $0xFFFFFFFF  }
0xcc: {  	_ =	task.clear_ibuf [dreg:s10], $0x2FFFF;
	_ =	strace $0x9FFFFFFF  }
0xcd: {  	(tm) =	ssettm $0x7FFFFFFF  }
tec
execute0_lowered:
.L_overlay_start_1:
0x0: {  	(tag) =	ssettag $0x1  }
0x1: {  	s2 =	rddreg [dreg:$0x0]  }
0x2: {  	s0 =	rddreg [dreg:$0x1]  }
0x3: {  	s1 =	rddreg [dreg:$0x2];
	v0 =	vimm.s32 $0xFFEDCBA9;
	v1 =	vimm.s32 $0x87654321;
	v2 =	vimm.f32 $1.500000000e+01  }
0x4: {  	s3 =	rddreg [dreg:$0x3];
	vm0 =	vcmask $0x300;
	v3 =	vimm.s32 $0x65432100;
	v4 =	vimm.s32 $0xEDCBA987  }
0x5: {  	s4 =	rddreg [dreg:$0x4];
	vm1 =	vcmask $0x3B38;
	v2 =	vsel vm0, $0x0, v2;
	vm0 =	vcmask $0x704  }
0x6: {  	s5 =	srdreg.scid;
	s7 =	stileid.u32;
	v0 =	vunpack.c.l.s4.s8 v0;
	v2 =	vsel vm0, $0x3F800000, v2;
	vm0 =	vcmask $0xB08  }
0x7: {  	s6 =	simm.s32 $0x0;
	s28 =	simm.s32 $0x2;
	s29 =	simm.s32 $0x1;
	v1 =	vunpack.c.l.s4.s8 v1;
	v2 =	vsel vm0, $0x40000000, v2;
	vm0 =	vcmask $0xF0C  }
0x8: {  	s30 =	simm.s32 $0x1AE00;
	s31 =	simm.s32 $0x1D600;
	s21 =	simm.s32 $0x3;
	v4 =	vunpack.c.l.s4.s8 v4;
	v2 =	vsel vm0, $0x40400000, v2;
	vm0 =	vcmask $0x1310  }
0x9: {  	s5 =	sand.u32 $0x1, s5;
	s7 =	sshll.u32 s7, $0x1;
	[smem:$0x7FF] =	sst s6;
	v3 =	vunpack.c.l.s4.s8 v3;
	v2 =	vsel vm0, $0x40800000, v2;
	vm0 =	vcmask $0x1714  }
0xa: {  	s8 =	sadd.s32 $0x3CA00, s2;
	s10 =	sadd.s32 $0x15600, s2;
	s7 =	sor.u32 s5, s7;
	v0 =	vunpack.c.0.s8.s32 v0;
	v2 =	vsel vm0, $0x40A00000, v2;
	vm0 =	vcmask $0x1B18  }
0xb: {  	s11 =	sadd.s32 $0x29000, s2;
	s5 =	ssub.s32 $0x2, s5;
	v1 =	vunpack.c.0.s8.s32 v1;
	s12 =	smul.u32 $0xA00, s7;
	v2 =	vsel vm0, $0x40C00000, v2;
	vm0 =	vcmask $0x1F1C  }
0xc: {  	_ =	strace $0x80000047;
	s9 =	smul.u32 $0x4E20, s7;
	s22 =	sshrl.u32 s5, $0x1;
	v4 =	vunpack.c.0.s8.s32 v4;
	v2 =	vsel vm0, $0x40E00000, v2;
	vm0 =	vcmask $0x2320  }
0xd: {  	[dreg:$0x6] =	wrdreg s8;
	s8 =	sadd.s32 $0x1C00, s2;
	v3 =	vunpack.c.0.s8.s32 v3;
	s5 =	ssub.s32 s5, s22;
	v2 =	vsel vm0, $0x41000000, v2;
	vm0 =	vcmask $0x2724  }
0xe: {  	s22 =	simm.s32 $0x0;
	v1 =	vcombine.low v1, v0;
	s2 =	sadd.s32 s12, s2;
	s17 =	sshrl.u32 s9, $0x3;
	v2 =	vsel vm0, $0x41100000, v2;
	vm0 =	vcmask $0x2B28  }
0xf: {  	v0 =	vimm.f32 $0.0e+00;
	s20 =	smax.u32 s5, $0x1;
	s5 =	simm.s32 $0x100;
	s23 =	sadd.s32 s0, s17;
	v2 =	vsel vm0, $0x41200000, v2;
	vm0 =	vcmask $0x2F2C  }
0x10: {  	v4 =	vand.u32 $0xF, v4;
	s24 =	sadd.s32 s1, s17;
	s25 =	sadd.s32 s8, s17;
	[dreg:$0x7] =	wrdreg s23;
	v5 =	vsel vm0, $0x41300000, v2;
	vm0 =	vcmask $0x3330  }
0x11: {  	s26 =	sadd.s32 s3, s17;
	s16 =	sadd.s32 s10, s17;
	[dreg:$0x8] =	wrdreg s24;
	v2 =	vcombine.low v3, v4;
	v3 =	vsel vm0, $0x41400000, v5;
	vm0 =	vcmask $0x3734  }
0x12: {  	s17 =	sadd.s32 s11, s17;
	s18 =	sadd.s32 $0x3FC00, s2;
	v1 =	vand.u32 $0xF, v1;
	[dreg:$0x9] =	wrdreg s25;
	v4 =	vlaneseq.u32;
	v5 =	vsel vm0, $0x41500000, v3  }
0x13: {  	s19 =	sadd.s32 $0x3FC10, s2;
	s2 =	simm.s32 $0x80;
	[dreg:$0xa] =	wrdreg s26;
	vm0 =	vcmask $0x3F3C;
	v3 =	vor.u32 $0x80000000, v4;
	v4 =	vsel vm1, $0x41600000, v5  }
.LBB2_1:
0x14: {  	s7 =	rddreg [dreg:$0x6]  }
0x15: {  	[tilespmem:s6], [sflag:$0x2] =	stream.linear.gather [hbm4b:s7+s6], $0x18700, $0x38;
	[tilespmem:$0x1FE00] =	vst v63  }
0x16: {  	s26 =	rddreg [dreg:$0x7];
	s12 =	simm.s32 $0x18700  }
0x17: {  	[tilespmem:s12], [sflag:$0x1] =	stream.linear.gather [hbm4b:s26+s6], $0x320, $0x38;
	[tilespmem:$0x1FE00] =	vst v63  }
0x18: {  	s13 =	simm.s32 $0x18D80;
	s12 =	rddreg [dreg:$0x8]  }
0x19: {  	[tilespmem:s13], [sflag:$0x1] =	stream.linear.gather [hbm4b:s12+s6], $0x320, $0x38;
	[tilespmem:$0x1FE00] =	vst v63  }
0x1a: {  	s14 =	rddreg [dreg:$0x9];
	s15 =	simm.s32 $0x19400  }
0x1b: {  	[tilespmem:s15], [sflag:$0x1] =	stream.linear.gather [hbm4b:s14+s6], $0x320, $0x38;
	[tilespmem:$0x1FE00] =	vst v63  }
0x1c: {  	s23 =	rddreg [dreg:$0xa];
	s24 =	simm.s32 $0x19A80  }
0x1d: {  	[tilespmem:s24], [sflag:$0x1] =	stream.linear.gather [hbm4b:s23+s6], $0x320, $0x38;
	[tilespmem:$0x1FE00] =	vst v63  }
0x1e: {  	s25 =	simm.s32 $0x1A100  }
0x1f: {  	[tilespmem:s25], [sflag:$0x1] =	stream.linear.gather [hbm4b:s16+s6], $0x320, $0x38;
	[tilespmem:$0x1FE00] =	vst v63  }
0x20: {  	s7 =	simm.s32 $0x40;
	s26 =	simm.s32 $0x1A780;
	s23 =	simm.s32 $0x0  }
0x21: {  	[tilespmem:s26], [sflag:$0x1] =	stream.linear.gather [hbm4b:s17+s6], $0x320, $0x38;
	[tilespmem:$0x1FE00] =	vst v63  }
.LBB2_2:
0x22: {  	p0 =	sne.s32 s7, $0x9FC0;
	[tilespmem:s23+$0x1AE00] =	vst v0;
	s24 =	smov.u32 s7;
	s7 =	sadd.s32 $0x40, s7  }
.Ltmp0:
0x23: {  	[tilespmem:s23+$0x1D600] =	vst v0;
	(pc) =	sbr.rel @p0 .LBB2_2-.Ltmp0, $2  }
0x24: {  	_ =	sdelay $0x2  }
0x25: {  	s23 =	sshra.s32 s24, $0x2  }
0x26: {  	[tilespmem:s23+$0x1AE00] =	vst v0  }
0x27: {  	[tilespmem:s23+$0x1D600] =	vst v0  }
0x28: {  	_ =	swait.ge [sflag:s28], $0x18700  }
0x29: {  	[sflag:s28] =	ssyncset.done $0x0  }
0x2a: {  	s23 =	simm.s32 $0x0;
	[sflag:s28] =	ssyncadd.s32 $0xFFFE7900  }
.LBB2_4:
0x2b: {  	p0 =	seq.s32 s23, $0x0  }
.Ltmp1:
0x2c: {  	_ = 	snop;
	(pc) =	sbr.rel @p0 .LBB2_7-.Ltmp1, $2  }
0x2d: {  	_ =	sdelay $0x2  }
0x2e: {  	s24 =	sadd.s32 $0x1, s23  }
0x2f: {  	p0 =	seq.s32 s23, $0x18  }
.Ltmp2:
0x30: {  	_ = 	snop;
	(pc) =	sbr.rel @p0 .LBB2_8-.Ltmp2, $1  }
0x31: {  	_ =	sdelay $0x3  }
0x32: {  	_ =	swait.ge [sflag:s28], $0x320  }
0x33: {  	[sflag:s28] =	ssyncset.done $0x0  }
0x34: {  	[sflag:s28] =	ssyncadd.s32 $0xFFFFFCE0  }
.LBB2_7:
0x35: {  	s7 =	smul.u32 $0x320, s24  }
0x36: {  	s25 =	sand.u32 $0x1, s24  }
0x37: {  	p0 =	seq.s32 s25, $0x1;
	s25 =	simm.s32 $0x320;
	s7 =	sadd.s32 s9, s7  }
0x38: {  	s25 =	simm.s32 @!p0 $0x0;
	s7 =	sshrl.u32 s7, $0x3  }
0x39: {  	s26 =	sadd.s32 $0x18700, s25;
	s12 =	sadd.s32 s0, s7  }
0x3a: {  	[tilespmem:s26], [sflag:$0x1] =	stream.linear.gather [hbm4b:s12+s6], $0x320, $0x38;
	[tilespmem:$0x1FE00] =	vst v63  }
0x3b: {  	s13 =	sadd.s32 s1, s7;
	s26 =	sadd.s32 $0x18D80, s25  }
0x3c: {  	[tilespmem:s26], [sflag:$0x1] =	stream.linear.gather [hbm4b:s13+s6], $0x320, $0x38;
	[tilespmem:$0x1FE00] =	vst v63  }
0x3d: {  	s14 =	sor.u32 $0x19400, s25;
	s15 =	sadd.s32 s8, s7  }
0x3e: {  	[tilespmem:s14], [sflag:$0x1] =	stream.linear.gather [hbm4b:s15+s6], $0x320, $0x38;
	[tilespmem:$0x1FE00] =	vst v63  }
0x3f: {  	s26 =	sadd.s32 $0x19A80, s25;
	s13 =	sadd.s32 s3, s7  }
0x40: {  	[tilespmem:s26], [sflag:$0x1] =	stream.linear.gather [hbm4b:s13+s6], $0x320, $0x38;
	[tilespmem:$0x1FE00] =	vst v63  }
0x41: {  	s14 =	sadd.s32 $0x1A100, s25;
	s15 =	sadd.s32 s10, s7  }
0x42: {  	[tilespmem:s14], [sflag:$0x1] =	stream.linear.gather [hbm4b:s15+s6], $0x320, $0x38;
	[tilespmem:$0x1FE00] =	vst v63  }
0x43: {  	s7 =	sadd.s32 s11, s7;
	s26 =	sadd.s32 $0x1A780, s25  }
0x44: {  	[tilespmem:s26], [sflag:$0x1] =	stream.linear.gather [hbm4b:s7+s6], $0x320, $0x38;
	[tilespmem:$0x1FE00] =	vst v63  }
.LBB2_8:
0x45: {  	_ =	swait.ge [sflag:s29], $0x320  }
0x46: {  	[sflag:s29] =	ssyncset.done $0x0  }
0x47: {  	[sflag:s29] =	ssyncadd.s32 $0xFFFFFCE0  }
0x48: {  	_ =	swait.ge [sflag:s29], $0x320  }
0x49: {  	[sflag:s29] =	ssyncset.done $0x0  }
0x4a: {  	[sflag:s29] =	ssyncadd.s32 $0xFFFFFCE0  }
0x4b: {  	_ =	swait.ge [sflag:s29], $0x320  }
0x4c: {  	[sflag:s29] =	ssyncset.done $0x0  }
0x4d: {  	[sflag:s29] =	ssyncadd.s32 $0xFFFFFCE0  }
0x4e: {  	_ =	swait.ge [sflag:s29], $0x320  }
0x4f: {  	s7 =	sand.u32 $0x1, s23;
	[sflag:s29] =	ssyncset.done $0x0  }
0x50: {  	s25 =	simm.s32 $0x320;
	p0 =	seq.s32 s7, $0x1;
	[sflag:s29] =	ssyncadd.s32 $0xFFFFFCE0  }
0x51: {  	s25 =	simm.s32 @!p0 $0x0;
	_ =	swait.ge [sflag:s29], $0x320  }
0x52: {  	s7 =	sadd.s32 $0x18720, s25;
	[sflag:s29] =	ssyncset.done $0x0  }
0x53: {  	s12 =	sor.u32 $0x19440, s25;
	v5 =	vmov s7;
	[sflag:s29] =	ssyncadd.s32 $0xFFFFFCE0  }
0x54: {  	s26 =	sadd.s32 $0x19AC0, s25;
	s13 =	sadd.s32 $0x1A140, s25;
	_ =	swait.ge [sflag:s29], $0x320  }
0x55: {  	s14 =	sadd.s32 $0x1A7C0, s25;
	s15 =	sadd.s32 $0x18DC0, s25;
	v6 =	vmov s12;
	v7 =	vmov s26;
	[sflag:s29] =	ssyncset.done $0x0  }
0x56: {  	s26 =	simm.s32 $0x0;
	v8 =	vmov s13;
	v9 =	vmov s14;
	v10 =	vmov s15;
	[sflag:s29] =	ssyncadd.s32 $0xFFFFFCE0  }
.LBB2_9:
0x57: {  	s7 =	sshra.s32 s26, $0x2  }
0x58: {  	v11 =	vld.idx.msk [tilespmem:v5+s7+$0xFFFFFFE0 ss:$0x1], $0xffff;
	_ =	sdelay $0x7  }
0x59: {  	v11 =	vld.idx.msk [tilespmem:v11+s6+$0x0], $0xffff;
	_ =	sdelay $0x1  }
0x5a: {  	v12 =	vld.idx.msk [tilespmem:v6+s7+$0xFFFFFFC0 ss:$0x1], $0xffff;
	_ =	sdelay $0x1  }
0x5b: {  	v13 =	vld.idx.msk [tilespmem:v7+s7+$0xFFFFFFC0 ss:$0x1], $0xffff  }
0x5c: {  	v11 =	vmul.f32 v11, v11  }
0x5d: {  	v14 =	vld.idx.msk [tilespmem:v8+s7+$0xFFFFFFC0 ss:$0x1], $0xffff  }
0x5e: {  	v11 =	vmul.f32 v12, v11;
	_ =	sdelay $0x1  }
0x5f: {  	v12 =	vsub.f32 v11, v13  }
0x60: {  	v31 =	vld.idx.msk [tilespmem:v9+s7+$0xFFFFFFC0 ss:$0x1], $0xffff;
	[tilespmem:v6+s7+$0xFFFFFFC0 ss:$0x1] =	vst.idx.msk $0xffff, v11  }
0x61: {  	v32 =	vld.idx.msk [tilespmem:v10+s7+$0xFFFFFFC0 ss:$0x1], $0xffff;
	v11 =	vmul.f32 v14, v12;
	_ =	sdelay $0x1  }
0x62: {  	v14 =	vmul.f32 $5.000000000e-01, v11;
	_ =	sdelay $0x1  }
0x63: {  	v11 =	vmul.f32 v14, v11  }
0x64: {  	v33 =	vperm.xlane v32, v2  }
0x65: {  	v11 =	vsub.f32 v31, v11  }
0x66: {  	vm1 =	veq.s32 v32, v33  }
0x67: {  	v34 =	vsel vm1, $0x80000000, v3;
	(xrf2) =	vadd.scan.msk.f32 $0xffff, v11  }
0x68: {  	(xrf0) =	vmax.scan.msk.u32 $0xffff, v34;
	_ =	sdelay $0x5  }
0x69: {  	v11 =	vperm.xlane v32, v1;
	v13, _, _ =	vpop (xrf0)  }
0x6a: {  	v35 =	vadd.s32 $0x7FFFFFFF, v13  }
0x6b: {  	vm1 =	vne.s32 v32, v11;
	vm2 =	vgt.s32 v35, $0x0  }
0x6c: {  	vm1 =	vmor vm1, vm0;
	v11 =	vxor.u32 $0x80000000, v13;
	v14 =	vnsel vm2, $0x0, v35;
	v15, _, _ =	vpop (xrf2)  }
0x6d: {  	v11 =	vcvt.s32.f32 v11;
	v14 =	vperm.xlane v15, v14  }
0x6e: {  	vm2 =	veq.s32 v13, $0x80000000  }
0x6f: {  	v11 =	vsub.f32 v4, v11;
	v13 =	vsel vm2, $0x0, v14  }
0x70: {  	v13 =	vsub.f32 v15, v13  }
0x71: {  	v11 =	vadd.f32 $1.000000000e+00, v11  }
0x72: {  	[tilespmem:v32+s30+$0x0] =	vst.idx.add.f32.msk vm1, v13  }
0x73: {  	[tilespmem:v32+s31+$0x0] =	vst.idx.add.f32.msk vm1, v11  }
0x74: {  	v11 =	vld.idx.msk [tilespmem:v5+s7+$0xFFFFFFF0 ss:$0x1], $0xffff;
	_ =	sdelay $0x7  }
0x75: {  	v11 =	vld.idx.msk [tilespmem:v11+s6+$0x0], $0xffff;
	_ =	sdelay $0x1  }
0x76: {  	v12 =	vld.idx.msk [tilespmem:v6+s7+$0xFFFFFFD0 ss:$0x1], $0xffff;
	_ =	sdelay $0x1  }
0x77: {  	v13 =	vld.idx.msk [tilespmem:v7+s7+$0xFFFFFFD0 ss:$0x1], $0xffff  }
0x78: {  	v11 =	vmul.f32 v11, v11  }
0x79: {  	v36 =	vld.idx.msk [tilespmem:v8+s7+$0xFFFFFFD0 ss:$0x1], $0xffff  }
0x7a: {  	v11 =	vmul.f32 v12, v11;
	_ =	sdelay $0x1  }
0x7b: {  	v12 =	vsub.f32 v11, v13  }
0x7c: {  	v37 =	vld.idx.msk [tilespmem:v9+s7+$0xFFFFFFD0 ss:$0x1], $0xffff;
	[tilespmem:v6+s7+$0xFFFFFFD0 ss:$0x1] =	vst.idx.msk $0xffff, v11  }
0x7d: {  	v38 =	vld.idx.msk [tilespmem:v10+s7+$0xFFFFFFD0 ss:$0x1], $0xffff;
	v11 =	vmul.f32 v36, v12;
	_ =	sdelay $0x1  }
0x7e: {  	v14 =	vmul.f32 $5.000000000e-01, v11;
	_ =	sdelay $0x1  }
0x7f: {  	v11 =	vmul.f32 v14, v11  }
0x80: {  	v39 =	vperm.xlane v38, v2  }
0x81: {  	v11 =	vsub.f32 v37, v11  }
0x82: {  	vm1 =	veq.s32 v38, v39  }
0x83: {  	v40 =	vsel vm1, $0x80000000, v3;
	(xrf2) =	vadd.scan.msk.f32 $0xffff, v11  }
0x84: {  	(xrf0) =	vmax.scan.msk.u32 $0xffff, v40;
	_ =	sdelay $0x5  }
0x85: {  	v11 =	vperm.xlane v38, v1;
	v13, _, _ =	vpop (xrf0)  }
0x86: {  	v41 =	vadd.s32 $0x7FFFFFFF, v13  }
0x87: {  	vm1 =	vne.s32 v38, v11;
	vm2 =	vgt.s32 v41, $0x0  }
0x88: {  	vm1 =	vmor vm1, vm0;
	v11 =	vxor.u32 $0x80000000, v13;
	v14 =	vnsel vm2, $0x0, v41;
	v42, _, _ =	vpop (xrf2)  }
0x89: {  	v11 =	vcvt.s32.f32 v11;
	v14 =	vperm.xlane v42, v14  }
0x8a: {  	vm2 =	veq.s32 v13, $0x80000000  }
0x8b: {  	v11 =	vsub.f32 v4, v11;
	v13 =	vsel vm2, $0x0, v14  }
0x8c: {  	v13 =	vsub.f32 v42, v13  }
0x8d: {  	v11 =	vadd.f32 $1.000000000e+00, v11  }
0x8e: {  	[tilespmem:v38+s30+$0x0] =	vst.idx.add.f32.msk vm1, v13  }
0x8f: {  	[tilespmem:v38+s31+$0x0] =	vst.idx.add.f32.msk vm1, v11  }
0x90: {  	v11 =	vld.idx.msk [tilespmem:v5+s7+$0x0 ss:$0x1], $0xffff;
	_ =	sdelay $0x7  }
0x91: {  	v11 =	vld.idx.msk [tilespmem:v11+s6+$0x0], $0xffff;
	_ =	sdelay $0x1  }
0x92: {  	v12 =	vld.idx.msk [tilespmem:v6+s7+$0xFFFFFFE0 ss:$0x1], $0xffff;
	_ =	sdelay $0x1  }
0x93: {  	v13 =	vld.idx.msk [tilespmem:v7+s7+$0xFFFFFFE0 ss:$0x1], $0xffff  }
0x94: {  	v11 =	vmul.f32 v11, v11  }
0x95: {  	v43 =	vld.idx.msk [tilespmem:v8+s7+$0xFFFFFFE0 ss:$0x1], $0xffff  }
0x96: {  	v11 =	vmul.f32 v12, v11;
	_ =	sdelay $0x1  }
0x97: {  	v12 =	vsub.f32 v11, v13  }
0x98: {  	v44 =	vld.idx.msk [tilespmem:v9+s7+$0xFFFFFFE0 ss:$0x1], $0xffff;
	[tilespmem:v6+s7+$0xFFFFFFE0 ss:$0x1] =	vst.idx.msk $0xffff, v11  }
0x99: {  	v45 =	vld.idx.msk [tilespmem:v10+s7+$0xFFFFFFE0 ss:$0x1], $0xffff;
	v11 =	vmul.f32 v43, v12;
	_ =	sdelay $0x1  }
0x9a: {  	v14 =	vmul.f32 $5.000000000e-01, v11;
	_ =	sdelay $0x1  }
0x9b: {  	v11 =	vmul.f32 v14, v11  }
0x9c: {  	v46 =	vperm.xlane v45, v2  }
0x9d: {  	v11 =	vsub.f32 v44, v11  }
0x9e: {  	vm1 =	veq.s32 v45, v46  }
0x9f: {  	v47 =	vsel vm1, $0x80000000, v3;
	(xrf2) =	vadd.scan.msk.f32 $0xffff, v11  }
0xa0: {  	(xrf0) =	vmax.scan.msk.u32 $0xffff, v47;
	_ =	sdelay $0x5  }
0xa1: {  	v11 =	vperm.xlane v45, v1;
	v13, _, _ =	vpop (xrf0)  }
0xa2: {  	v48 =	vadd.s32 $0x7FFFFFFF, v13  }
0xa3: {  	vm1 =	vne.s32 v45, v11;
	vm2 =	vgt.s32 v48, $0x0  }
0xa4: {  	vm1 =	vmor vm1, vm0;
	v11 =	vxor.u32 $0x80000000, v13;
	v14 =	vnsel vm2, $0x0, v48;
	v49, _, _ =	vpop (xrf2)  }
0xa5: {  	v11 =	vcvt.s32.f32 v11;
	v14 =	vperm.xlane v49, v14  }
0xa6: {  	vm2 =	veq.s32 v13, $0x80000000  }
0xa7: {  	v11 =	vsub.f32 v4, v11;
	v13 =	vsel vm2, $0x0, v14  }
0xa8: {  	v13 =	vsub.f32 v49, v13  }
0xa9: {  	v11 =	vadd.f32 $1.000000000e+00, v11  }
0xaa: {  	[tilespmem:v45+s30+$0x0] =	vst.idx.add.f32.msk vm1, v13  }
0xab: {  	[tilespmem:v45+s31+$0x0] =	vst.idx.add.f32.msk vm1, v11  }
0xac: {  	v11 =	vld.idx.msk [tilespmem:v5+s7+$0x10 ss:$0x1], $0xffff;
	_ =	sdelay $0x7  }
0xad: {  	v11 =	vld.idx.msk [tilespmem:v11+s6+$0x0], $0xffff;
	_ =	sdelay $0x1  }
0xae: {  	v12 =	vld.idx.msk [tilespmem:v6+s7+$0xFFFFFFF0 ss:$0x1], $0xffff;
	_ =	sdelay $0x1  }
0xaf: {  	v13 =	vld.idx.msk [tilespmem:v7+s7+$0xFFFFFFF0 ss:$0x1], $0xffff  }
0xb0: {  	v11 =	vmul.f32 v11, v11  }
0xb1: {  	v50 =	vld.idx.msk [tilespmem:v8+s7+$0xFFFFFFF0 ss:$0x1], $0xffff  }
0xb2: {  	v11 =	vmul.f32 v12, v11;
	_ =	sdelay $0x1  }
0xb3: {  	v12 =	vsub.f32 v11, v13  }
0xb4: {  	v51 =	vld.idx.msk [tilespmem:v9+s7+$0xFFFFFFF0 ss:$0x1], $0xffff;
	[tilespmem:v6+s7+$0xFFFFFFF0 ss:$0x1] =	vst.idx.msk $0xffff, v11  }
0xb5: {  	v52 =	vld.idx.msk [tilespmem:v10+s7+$0xFFFFFFF0 ss:$0x1], $0xffff;
	v11 =	vmul.f32 v50, v12;
	_ =	sdelay $0x1  }
0xb6: {  	v14 =	vmul.f32 $5.000000000e-01, v11;
	_ =	sdelay $0x1  }
0xb7: {  	v11 =	vmul.f32 v14, v11  }
0xb8: {  	v53 =	vperm.xlane v52, v2  }
0xb9: {  	v11 =	vsub.f32 v51, v11  }
0xba: {  	vm1 =	veq.s32 v52, v53  }
0xbb: {  	v54 =	vsel vm1, $0x80000000, v3;
	(xrf2) =	vadd.scan.msk.f32 $0xffff, v11  }
0xbc: {  	(xrf0) =	vmax.scan.msk.u32 $0xffff, v54;
	_ =	sdelay $0x5  }
0xbd: {  	v11 =	vperm.xlane v52, v1;
	v13, _, _ =	vpop (xrf0)  }
0xbe: {  	v55 =	vadd.s32 $0x7FFFFFFF, v13  }
0xbf: {  	vm1 =	vne.s32 v52, v11;
	vm2 =	vgt.s32 v55, $0x0  }
0xc0: {  	vm1 =	vmor vm1, vm0;
	v11 =	vxor.u32 $0x80000000, v13;
	v14 =	vnsel vm2, $0x0, v55;
	v56, _, _ =	vpop (xrf2)  }
0xc1: {  	v11 =	vcvt.s32.f32 v11;
	v14 =	vperm.xlane v56, v14  }
0xc2: {  	vm2 =	veq.s32 v13, $0x80000000  }
0xc3: {  	v11 =	vsub.f32 v4, v11;
	v13 =	vsel vm2, $0x0, v14  }
0xc4: {  	v13 =	vsub.f32 v56, v13  }
0xc5: {  	v11 =	vadd.f32 $1.000000000e+00, v11  }
0xc6: {  	[tilespmem:v52+s30+$0x0] =	vst.idx.add.f32.msk vm1, v13  }
0xc7: {  	[tilespmem:v52+s31+$0x0] =	vst.idx.add.f32.msk vm1, v11  }
0xc8: {  	v11 =	vld.idx.msk [tilespmem:v5+s7+$0x20 ss:$0x1], $0xffff;
	_ =	sdelay $0x7  }
0xc9: {  	v11 =	vld.idx.msk [tilespmem:v11+s6+$0x0], $0xffff;
	_ =	sdelay $0x1  }
0xca: {  	v12 =	vld.idx.msk [tilespmem:v6+s7+$0x0 ss:$0x1], $0xffff;
	_ =	sdelay $0x1  }
0xcb: {  	v13 =	vld.idx.msk [tilespmem:v7+s7+$0x0 ss:$0x1], $0xffff  }
0xcc: {  	v11 =	vmul.f32 v11, v11  }
0xcd: {  	v57 =	vld.idx.msk [tilespmem:v8+s7+$0x0 ss:$0x1], $0xffff  }
0xce: {  	v11 =	vmul.f32 v12, v11;
	_ =	sdelay $0x1  }
0xcf: {  	v12 =	vsub.f32 v11, v13  }
0xd0: {  	v58 =	vld.idx.msk [tilespmem:v9+s7+$0x0 ss:$0x1], $0xffff;
	[tilespmem:v6+s7+$0x0 ss:$0x1] =	vst.idx.msk $0xffff, v11  }
0xd1: {  	v59 =	vld.idx.msk [tilespmem:v10+s7+$0x0 ss:$0x1], $0xffff;
	v11 =	vmul.f32 v57, v12;
	_ =	sdelay $0x1  }
0xd2: {  	v14 =	vmul.f32 $5.000000000e-01, v11;
	_ =	sdelay $0x1  }
0xd3: {  	v11 =	vmul.f32 v14, v11  }
0xd4: {  	v60 =	vperm.xlane v59, v2  }
0xd5: {  	v11 =	vsub.f32 v58, v11  }
0xd6: {  	vm1 =	veq.s32 v59, v60  }
0xd7: {  	v61 =	vsel vm1, $0x80000000, v3;
	(xrf2) =	vadd.scan.msk.f32 $0xffff, v11  }
0xd8: {  	(xrf0) =	vmax.scan.msk.u32 $0xffff, v61;
	_ =	sdelay $0x5  }
0xd9: {  	v11 =	vperm.xlane v59, v1;
	v13, _, _ =	vpop (xrf0)  }
0xda: {  	v62 =	vadd.s32 $0x7FFFFFFF, v13  }
0xdb: {  	vm1 =	vne.s32 v59, v11;
	vm2 =	vgt.s32 v62, $0x0  }
0xdc: {  	vm1 =	vmor vm1, vm0;
	v11 =	vxor.u32 $0x80000000, v13;
	v14 =	vnsel vm2, $0x0, v62;
	v63, _, _ =	vpop (xrf2)  }
0xdd: {  	v11 =	vcvt.s32.f32 v11;
	v14 =	vperm.xlane v63, v14  }
0xde: {  	p0 =	sne.s32 s26, $0xB40;
	vm2 =	veq.s32 v13, $0x80000000  }
.Ltmp3:
0xdf: {  	v11 =	vsub.f32 v4, v11;
	v13 =	vsel vm2, $0x0, v14;
	(pc) =	sbr.rel @p0 .LBB2_9-.Ltmp3, $4  }
0xe0: {  	v13 =	vsub.f32 v63, v13  }
0xe1: {  	v11 =	vadd.f32 $1.000000000e+00, v11  }
0xe2: {  	[tilespmem:v59+s30+$0x0] =	vst.idx.add.f32.msk vm1, v13  }
0xe3: {  	s26 =	sadd.s32 $0x140, s26;
	[tilespmem:v59+s31+$0x0] =	vst.idx.add.f32.msk vm1, v11  }
0xe4: {  	s7 =	smul.u32 $0x320, s23;
	p0 =	sne.s32 s24, $0x19  }
.Ltmp4:
0xe5: {  	_ = 	snop;
	(pc) =	sbr.rel @p0 .LBB2_4-.Ltmp4, $4  }
0xe6: {  	s7 =	sadd.s32 s9, s7  }
0xe7: {  	s7 =	sshrl.u32 s7, $0x3  }
0xe8: {  	s12 =	sor.u32 $0x19400, s25;
	s23 =	smov.u32 s24;
	s7 =	sadd.s32 s4, s7  }
0xe9: {  	[hbm4b:s7+s6] =	stream.linear.scatter [tilespmem:s12], [sflag:$0x2], $0x320, $0x38;
	[tilespmem:$0x1FE00] =	vst v63  }
0xea: {  	_ =	swait.ge [sflag:s28], $0x320  }
0xeb: {  	[sflag:s28] =	ssyncset.done $0x0  }
0xec: {  	[sflag:s28] =	ssyncadd.s32 $0xFFFFFCE0  }
0xed: {  	_ =	swait.ge [sflag:s28], $0x320  }
0xee: {  	[sflag:s28] =	ssyncset.done $0x0  }
0xef: {  	[sflag:s28] =	ssyncadd.s32 $0xFFFFFCE0  }
0xf0: {  	[hbm4b:s18+s2] =	stream.strided.scatter [tilespmem:s30], [sflag:$0x3], $0x2800, s5, s2, $0x38;
	[tilespmem:$0x1FE00] =	vst v63  }
0xf1: {  	s22 =	sadd.s32 $0x1, s22;
	_ =	swait.ge [sflag:s21], $0x2800  }
0xf2: {  	p0 =	sne.s32 s22, s20;
	[sflag:s21] =	ssyncset.done $0x0  }
.Ltmp5:
0xf3: {  	[sflag:s21] =	ssyncadd.s32 $0xFFFFD800;
	(pc) =	sbr.rel @p0 .LBB2_1-.Ltmp5, $4  }
0xf4: {  	[hbm4b:s19+s2] =	stream.strided.scatter [tilespmem:s31], [sflag:$0x3], $0x2800, s5, s2, $0x38;
	[tilespmem:$0x1FE00] =	vst v63  }
0xf5: {  	_ =	swait.ge [sflag:s21], $0x2800  }
0xf6: {  	[sflag:s21] =	ssyncset.done $0x0  }
0xf7: {  	[sflag:s21] =	ssyncadd.s32 $0xFFFFD800  }
0xf8: {  	_ =	sfence.sel $0x180000  }
0xf9: {  	[bflag:$0x0] =	sbarrier.arrive $0xFFFF  }
0xfa: {  	_ =	strace $0x90000047  }
0xfb: {  	s0 =	stileid.u32;
	[bflag:$0x2] =	sbarrier.arrive $0xFFFF  }
0xfc: {  	p0 =	sne.s32 s0, $0x0;
	s0 =	rddreg [dreg:$0x5]  }
0xfd: {  	s0 =	sadd.s32 @!p0 $0x100000, s0  }
0xfe: {  	[sflag:s0] =	ssyncadd.tile.s32 @!p0 $0x1;
	_ =	shalt  }
.Lfunc_end2:
_tile_overlayer_lowered:
.L_overlay_start_2:
0xff: {  	(tag) =	ssettag $0x2  }
0x100: {  	s0 =	rddreg [dreg:$0x0];
	s2 =	stileid.u32  }
0x101: {  	s1 =	rddreg [dreg:$0x1];
	p0 =	sne.s32 s2, $0x0  }
0x102: {  	s3 =	rddreg [dreg:$0x2];
	[bflag:$0x3] =	sbarrier.arrive $0xFFFF;
	s2 =	simm.s32 @!p0 $0x1C03  }
0x103: {  	[timem:s3], [sflag:s2] =	dma.local @!p0 [hbm:s0], s1  }
0x104: {  	s0 =	simm.s32 @!p0 $0x3  }
0x105: {  	_ =	swait.ge @!p0 [sflag:s0], s1  }
0x106: {  	s1 =	ssub.s32 @!p0 $0x0, s1;
	[sflag:s0] =	ssyncset.done @!p0 $0x0  }
0x107: {  	[sflag:s0] =	ssyncadd.s32 @!p0 s1  }
0x108: {  	[bflag:$0x3] =	sbarrier.arrive $0xFFFF  }
0x109: {  	_ =	shalt  }

</sc_bundles>
